<compile_context>
chip_gen: v7x
topology: tpu7x:2x2x1
jax: 0.10.2.dev20260603
libtpu: 0.0.44.dev20260713+nightly
codegen_flags: <defaults>
</compile_context>

<pallas_src>
import functools

import jax
import jax.numpy as jnp
from jax import lax
from jax.experimental import pallas as pl
from jax.experimental.pallas import tpu as pltpu
from jax.experimental.pallas import tpu_sc as plsc

_NC = 2
_NS = 16
_K = 128


def _make_agg(N, D, Npad, nchunks):
    nw = _NC * _NS
    rpt = Npad // _NS
    zrows = 128
    assert rpt * _NS == Npad and rpt % zrows == 0 and nchunks % 2 == 0

    mesh = plsc.VectorSubcoreMesh(core_axis_name="c", subcore_axis_name="s")

    @functools.partial(
        pl.kernel,
        mesh=mesh,
        out_type=jax.ShapeDtypeStruct((_NC * Npad, D), jnp.float32),
        scratch_types=[
            pltpu.VMEM((nchunks * _K,), jnp.int32),
            pltpu.VMEM((_K,), jnp.int32),
            pltpu.VMEM((_K,), jnp.int32),
            pltpu.VMEM((_K,), jnp.int32),
            pltpu.VMEM((_K,), jnp.int32),
            pltpu.VMEM((_K, D), jnp.float32),
            pltpu.VMEM((_K, D), jnp.float32),
            pltpu.VMEM_SHARED((Npad, D), jnp.float32),
            pltpu.SemaphoreType.DMA,
            pltpu.SemaphoreType.DMA,
        ],
    )
    def agg_kernel(x_hbm, edges_hbm, out_hbm, packed_v,
                   src0, src1, dst0, dst1, rows0, rows1, acc, sem0, sem1):
        cid = lax.axis_index("c")
        sid = lax.axis_index("s")
        wid = cid * _NS + sid

        def unpack(j, src_b, dst_b):
            for t in range(_K // 16):
                v = packed_v[pl.ds(j * _K + t * 16, 16)]
                src_b[pl.ds(t * 16, 16)] = jnp.bitwise_and(v, 0xFFFF)
                dst_b[pl.ds(t * 16, 16)] = lax.shift_right_logical(v, 16)

        def zrow(i, c):
            for t in range(D // 16):
                rows0[i, pl.ds(t * 16, 16)] = jnp.zeros((16,), jnp.float32)
            return c
        lax.fori_loop(0, zrows, zrow, 0)
        row0 = sid * rpt
        for t in range(rpt // zrows):
            pltpu.sync_copy(rows0.at[pl.ds(0, zrows)],
                            acc.at[pl.ds(row0 + t * zrows, zrows)])

        pltpu.sync_copy(edges_hbm.at[pl.ds(wid * nchunks * _K, nchunks * _K)],
                        packed_v)
        plsc.subcore_barrier()

        unpack(0, src0, dst0)
        unpack(1, src1, dst1)
        pltpu.make_async_copy(x_hbm.at[src0], rows0, sem0).start()

        def body(i, c):
            j = 2 * i
            pltpu.make_async_copy(x_hbm.at[src1], rows1, sem1).start()
            pltpu.make_async_copy(x_hbm.at[src0], rows0, sem0).wait()
            pltpu.sync_copy(rows0, acc.at[dst0], add=True)

            @pl.when(j + 2 < nchunks)
            def _():
                unpack(j + 2, src0, dst0)
                pltpu.make_async_copy(x_hbm.at[src0], rows0, sem0).start()
            pltpu.make_async_copy(x_hbm.at[src1], rows1, sem1).wait()
            pltpu.sync_copy(rows1, acc.at[dst1], add=True)

            @pl.when(j + 3 < nchunks)
            def _():
                unpack(j + 3, src1, dst1)
            return c
        lax.fori_loop(0, nchunks // 2, body, 0)
        plsc.subcore_barrier()

        out0 = cid * Npad + row0
        for t in range(rpt // zrows):
            pltpu.sync_copy(acc.at[pl.ds(row0 + t * zrows, zrows)],
                            out_hbm.at[pl.ds(out0 + t * zrows, zrows)])

    return agg_kernel


def _mlp_body(eps_ref, x_ref, agg_ref, w1_ref, b1_ref, g_ref, be_ref,
              w2_ref, b2_ref, o_ref):
    n = x_ref.shape[0]
    npad = agg_ref.shape[0] // 2
    x = x_ref[...]
    agg = agg_ref[:n, :] + agg_ref[npad:npad + n, :]
    h = x * (1.0 + eps_ref[0, 0]) + agg
    y = jnp.dot(h, w1_ref[...], preferred_element_type=jnp.float32) + b1_ref[...]
    mean = jnp.mean(y, axis=0, keepdims=True)
    var = jnp.mean((y - mean) * (y - mean), axis=0, keepdims=True)
    z = (y - mean) * lax.rsqrt(var + 1e-5) * g_ref[...] + be_ref[...]
    z = jnp.maximum(z, 0.0)
    o = jnp.dot(z, w2_ref[...], preferred_element_type=jnp.float32) + b2_ref[...]
    o_ref[...] = x + jnp.maximum(o, 0.0)


def kernel(x, edge_index, eps, W1, b1, gamma, beta, W2, b2):
    N, D = x.shape
    E = edge_index.shape[1]
    nw = _NC * _NS

    npad = ((N + _NS * 128 - 1) // (_NS * 128)) * (_NS * 128)

    epw = -(-E // nw)
    nchunks = -(-epw // _K)
    nchunks += nchunks % 2
    epad = nw * nchunks * _K
    pad_n = epad - E
    r = jnp.arange(pad_n, dtype=jnp.int32)
    src = jnp.concatenate([edge_index[0], r % N])
    dst = jnp.concatenate([edge_index[1], N + r % (npad - N)])
    packed = jnp.bitwise_or(src, jnp.left_shift(dst, 16))

    agg2 = _make_agg(N, D, npad, nchunks)(x, packed)

    vspec = pl.BlockSpec(memory_space=pltpu.VMEM)
    out = pl.pallas_call(
        _mlp_body,
        out_shape=jax.ShapeDtypeStruct((N, D), jnp.float32),
        in_specs=[pl.BlockSpec(memory_space=pltpu.SMEM)] + [vspec] * 8,
        out_specs=vspec,
    )(
        eps.reshape(1, 1),
        x,
        agg2,
        W1,
        b1.reshape(1, D),
        gamma.reshape(1, D),
        beta.reshape(1, D),
        W2,
        b2.reshape(1, D),
    )
    return out

# --- scband reference (transcript-rebuilt; emitter-appended) ---
"""Pipeline reference for scband-ginconv-31138512896562 (READ-ONLY COPY).

The authoritative reference and input builder live on the scoring server;
editing this copy changes nothing except your own understanding.
"""

import jax, jax.numpy as jnp
import numpy as np

N = 10000
E = 320000
D = 128


def setup_inputs(seed: int = 0) -> dict:
    key = jax.random.key(seed)
    ks = jax.random.split(key, 8)
    x = jax.random.normal(ks[0], (N, D), dtype=jnp.float32)
    edge_index = jax.random.randint(ks[1], (2, E), 0, N, dtype=jnp.int32)
    scale = 1.0 / np.sqrt(D)
    W1 = jax.random.uniform(ks[2], (D, D), minval=-scale, maxval=scale, dtype=jnp.float32)
    b1 = jax.random.uniform(ks[3], (D,), minval=-scale, maxval=scale, dtype=jnp.float32)
    gamma = jnp.ones((D,), dtype=jnp.float32)
    beta = jnp.zeros((D,), dtype=jnp.float32)
    W2 = jax.random.uniform(ks[4], (D, D), minval=-scale, maxval=scale, dtype=jnp.float32)
    b2 = jax.random.uniform(ks[5], (D,), minval=-scale, maxval=scale, dtype=jnp.float32)
    eps = jnp.zeros((), dtype=jnp.float32)  # train_eps=True, initialized to 0
    return {"x": x, "edge_index": edge_index, "eps": eps, "W1": W1, "b1": b1,
            "gamma": gamma, "beta": beta, "W2": W2, "b2": b2}


def reference(x, edge_index, eps, W1, b1, gamma, beta, W2, b2):
    src = edge_index[0]
    dst = edge_index[1]
    # GIN sum aggregation: sum_{j in N(i)} x_j  (scatter-add over destination nodes)
    agg = jax.ops.segment_sum(x[src], dst, num_segments=N)
    h = (1.0 + eps) * x + agg
    # MLP: Linear(D, D) -> BatchNorm1d(D) -> ReLU -> Linear(D, D)
    h = h @ W1 + b1
    mean = jnp.mean(h, axis=0)
    var = jnp.var(h, axis=0)
    h = (h - mean) / jnp.sqrt(var + 1e-5) * gamma + beta
    h = jax.nn.relu(h)
    h = h @ W2 + b2
    # residual: x + relu(ginconv(x, edge_index))
    return x + jax.nn.relu(h)

if __name__ == "__main__":
    import jax
    _d = setup_inputs()
    print(jax.jit(kernel)(*tuple(_d.values())))

</pallas_src>

<mosaic_0001>
#map = affine_map<(d0, d1) -> (0, 0)>
#map1 = affine_map<(d0, d1) -> (0)>
module attributes {stable_mosaic.version = 14 : i64} {
  func.func @agg_kernel(%arg0: i32, %arg1: i32, %arg2: memref<10000x128xf32, #tpu.memory_space<hbm>>, %arg3: memref<327680xi32, #tpu.memory_space<hbm>>, %arg4: memref<20480x128xf32, #tpu.memory_space<hbm>>, %arg5: memref<10240xi32, #tpu.memory_space<vmem>>, %arg6: memref<128xi32, #tpu.memory_space<vmem>>, %arg7: memref<128xi32, #tpu.memory_space<vmem>>, %arg8: memref<128xi32, #tpu.memory_space<vmem>>, %arg9: memref<128xi32, #tpu.memory_space<vmem>>, %arg10: memref<128x128xf32, #tpu.memory_space<vmem>>, %arg11: memref<128x128xf32, #tpu.memory_space<vmem>>, %arg12: memref<10240x128xf32, #tpu.memory_space<vmem_shared>>, %arg13: memref<!tpu.dma_semaphore, #tpu.memory_space<semaphore_mem>>, %arg14: memref<!tpu.dma_semaphore, #tpu.memory_space<semaphore_mem>>) attributes {dimension_semantics = [#tpu.dimension_semantics<core_parallel>, #tpu.dimension_semantics<subcore_parallel>], iteration_bounds = array<i64: 2, 16>, scalar_prefetch = 0 : i64, scratch_operands = 10 : i64, tpu.core_type = #tpu.core_type<sc_vector_subcore>, window_params = [{transform_indices = #map}, {transform_indices = #map1}, {transform_indices = #map}]} {
    %mul3A = arith.constant 16 : i32
    %mul3A_0 = arith.muli %arg0, %mul3A : i32
    %add3A = arith.addi %mul3A_0, %arg1 : i32
    %scan3A = arith.constant 0 : i32
    %scan3A_1 = arith.constant 0 : i32
    %scan3A_2 = arith.constant 128 : i32
    %scan3A_3 = arith.addi %scan3A_1, %scan3A_2 : i32
    %scan3A_4 = arith.constant 1 : i32
    scf.for %scan3A_322 = %scan3A_1 to %scan3A_3 step %scan3A_4  : i32 {
      %broadcast_in_dim3A = arith.constant 0.000000e+00 : f32
      %broadcast_in_dim3A_323 = vector.broadcast %broadcast_in_dim3A : f32 to vector<16xf32>
      %swap3A_324 = arith.index_cast %scan3A_322 : i32 to index
      %swap3A_325 = arith.constant 0 : index
      %swap3A_326 = tpu.vector_load %arg10[%swap3A_324, %swap3A_325] {strides = array<i32>} : memref<128x128xf32, #tpu.memory_space<vmem>>, vector<1x16xf32>,
      %swap3A_327 = vector.shape_cast %swap3A_326 : vector<1x16xf32> to vector<16xf32>
      %swap3A_328 = vector.shape_cast %broadcast_in_dim3A_323 : vector<16xf32> to vector<1x16xf32>
      tpu.vector_store %arg10[%swap3A_324, %swap3A_325], %swap3A_328 {strides = array<i32>} : memref<128x128xf32, #tpu.memory_space<vmem>>, vector<1x16xf32>,
      %broadcast_in_dim3A_329 = arith.constant 0.000000e+00 : f32
      %broadcast_in_dim3A_330 = vector.broadcast %broadcast_in_dim3A_329 : f32 to vector<16xf32>
      %swap3A_331 = arith.index_cast %scan3A_322 : i32 to index
      %swap3A_332 = arith.constant 16 : index
      %swap3A_333 = tpu.vector_load %arg10[%swap3A_331, %swap3A_332] {strides = array<i32>} : memref<128x128xf32, #tpu.memory_space<vmem>>, vector<1x16xf32>,
      %swap3A_334 = vector.shape_cast %swap3A_333 : vector<1x16xf32> to vector<16xf32>
      %swap3A_335 = vector.shape_cast %broadcast_in_dim3A_330 : vector<16xf32> to vector<1x16xf32>
      tpu.vector_store %arg10[%swap3A_331, %swap3A_332], %swap3A_335 {strides = array<i32>} : memref<128x128xf32, #tpu.memory_space<vmem>>, vector<1x16xf32>,
      %broadcast_in_dim3A_336 = arith.constant 0.000000e+00 : f32
      %broadcast_in_dim3A_337 = vector.broadcast %broadcast_in_dim3A_336 : f32 to vector<16xf32>
      %swap3A_338 = arith.index_cast %scan3A_322 : i32 to index
      %swap3A_339 = arith.constant 32 : index
      %swap3A_340 = tpu.vector_load %arg10[%swap3A_338, %swap3A_339] {strides = array<i32>} : memref<128x128xf32, #tpu.memory_space<vmem>>, vector<1x16xf32>,
      %swap3A_341 = vector.shape_cast %swap3A_340 : vector<1x16xf32> to vector<16xf32>
      %swap3A_342 = vector.shape_cast %broadcast_in_dim3A_337 : vector<16xf32> to vector<1x16xf32>
      tpu.vector_store %arg10[%swap3A_338, %swap3A_339], %swap3A_342 {strides = array<i32>} : memref<128x128xf32, #tpu.memory_space<vmem>>, vector<1x16xf32>,
      %broadcast_in_dim3A_343 = arith.constant 0.000000e+00 : f32
      %broadcast_in_dim3A_344 = vector.broadcast %broadcast_in_dim3A_343 : f32 to vector<16xf32>
      %swap3A_345 = arith.index_cast %scan3A_322 : i32 to index
      %swap3A_346 = arith.constant 48 : index
      %swap3A_347 = tpu.vector_load %arg10[%swap3A_345, %swap3A_346] {strides = array<i32>} : memref<128x128xf32, #tpu.memory_space<vmem>>, vector<1x16xf32>,
      %swap3A_348 = vector.shape_cast %swap3A_347 : vector<1x16xf32> to vector<16xf32>
      %swap3A_349 = vector.shape_cast %broadcast_in_dim3A_344 : vector<16xf32> to vector<1x16xf32>
      tpu.vector_store %arg10[%swap3A_345, %swap3A_346], %swap3A_349 {strides = array<i32>} : memref<128x128xf32, #tpu.memory_space<vmem>>, vector<1x16xf32>,
      %broadcast_in_dim3A_350 = arith.constant 0.000000e+00 : f32
      %broadcast_in_dim3A_351 = vector.broadcast %broadcast_in_dim3A_350 : f32 to vector<16xf32>
      %swap3A_352 = arith.index_cast %scan3A_322 : i32 to index
      %swap3A_353 = arith.constant 64 : index
      %swap3A_354 = tpu.vector_load %arg10[%swap3A_352, %swap3A_353] {strides = array<i32>} : memref<128x128xf32, #tpu.memory_space<vmem>>, vector<1x16xf32>,
      %swap3A_355 = vector.shape_cast %swap3A_354 : vector<1x16xf32> to vector<16xf32>
      %swap3A_356 = vector.shape_cast %broadcast_in_dim3A_351 : vector<16xf32> to vector<1x16xf32>
      tpu.vector_store %arg10[%swap3A_352, %swap3A_353], %swap3A_356 {strides = array<i32>} : memref<128x128xf32, #tpu.memory_space<vmem>>, vector<1x16xf32>,
      %broadcast_in_dim3A_357 = arith.constant 0.000000e+00 : f32
      %broadcast_in_dim3A_358 = vector.broadcast %broadcast_in_dim3A_357 : f32 to vector<16xf32>
      %swap3A_359 = arith.index_cast %scan3A_322 : i32 to index
      %swap3A_360 = arith.constant 80 : index
      %swap3A_361 = tpu.vector_load %arg10[%swap3A_359, %swap3A_360] {strides = array<i32>} : memref<128x128xf32, #tpu.memory_space<vmem>>, vector<1x16xf32>,
      %swap3A_362 = vector.shape_cast %swap3A_361 : vector<1x16xf32> to vector<16xf32>
      %swap3A_363 = vector.shape_cast %broadcast_in_dim3A_358 : vector<16xf32> to vector<1x16xf32>
      tpu.vector_store %arg10[%swap3A_359, %swap3A_360], %swap3A_363 {strides = array<i32>} : memref<128x128xf32, #tpu.memory_space<vmem>>, vector<1x16xf32>,
      %broadcast_in_dim3A_364 = arith.constant 0.000000e+00 : f32
      %broadcast_in_dim3A_365 = vector.broadcast %broadcast_in_dim3A_364 : f32 to vector<16xf32>
      %swap3A_366 = arith.index_cast %scan3A_322 : i32 to index
      %swap3A_367 = arith.constant 96 : index
      %swap3A_368 = tpu.vector_load %arg10[%swap3A_366, %swap3A_367] {strides = array<i32>} : memref<128x128xf32, #tpu.memory_space<vmem>>, vector<1x16xf32>,
      %swap3A_369 = vector.shape_cast %swap3A_368 : vector<1x16xf32> to vector<16xf32>
      %swap3A_370 = vector.shape_cast %broadcast_in_dim3A_365 : vector<16xf32> to vector<1x16xf32>
      tpu.vector_store %arg10[%swap3A_366, %swap3A_367], %swap3A_370 {strides = array<i32>} : memref<128x128xf32, #tpu.memory_space<vmem>>, vector<1x16xf32>,
      %broadcast_in_dim3A_371 = arith.constant 0.000000e+00 : f32
      %broadcast_in_dim3A_372 = vector.broadcast %broadcast_in_dim3A_371 : f32 to vector<16xf32>
      %swap3A_373 = arith.index_cast %scan3A_322 : i32 to index
      %swap3A_374 = arith.constant 112 : index
      %swap3A_375 = tpu.vector_load %arg10[%swap3A_373, %swap3A_374] {strides = array<i32>} : memref<128x128xf32, #tpu.memory_space<vmem>>, vector<1x16xf32>,
      %swap3A_376 = vector.shape_cast %swap3A_375 : vector<1x16xf32> to vector<16xf32>
      %swap3A_377 = vector.shape_cast %broadcast_in_dim3A_372 : vector<16xf32> to vector<1x16xf32>
      tpu.vector_store %arg10[%swap3A_373, %swap3A_374], %swap3A_377 {strides = array<i32>} : memref<128x128xf32, #tpu.memory_space<vmem>>, vector<1x16xf32>,
    }
    %scan3A_5 = arith.constant 128 : i32
    %mul3A_6 = arith.constant 640 : i32
    %mul3A_7 = arith.muli %arg1, %mul3A_6 : i32
    %add3A_8 = arith.constant 0 : i32
    %add3A_9 = arith.addi %mul3A_7, %add3A_8 : i32
    "tpu.region"() ({
      %run_scoped3A = tpu.sem_alloc : memref<!tpu.dma_semaphore, #tpu.memory_space<semaphore_mem>>
      %dma_start3A_322 = arith.constant 0 : i32
      %dma_start3A_323 = arith.constant 0 : i32
      %dma_start3A_324 = tpu.memref_slice %arg10[%dma_start3A_322, %dma_start3A_323] : memref<128x128xf32, #tpu.memory_space<vmem>> -> memref<128x128xf32, #tpu.memory_space<vmem>>
      %dma_start3A_325 = arith.constant 0 : i32
      %dma_start3A_326 = tpu.memref_slice %arg12[%add3A_9, %dma_start3A_325] : memref<10240x128xf32, #tpu.memory_space<vmem_shared>> -> memref<128x128xf32, #tpu.memory_space<vmem_shared>>
      %dma_start3A_327 = arith.constant 0 : i32
      %dma_start3A_328 = tpu.memref_slice %arg12[%add3A_9, %dma_start3A_327] : memref<10240x128xf32, #tpu.memory_space<vmem_shared>> -> memref<128x128xf32, #tpu.memory_space<vmem_shared>>
      %dma_start3A_329 = arith.constant 0 : i32
      %dma_start3A_330 = arith.constant 0 : i32
      %dma_start3A_331 = tpu.memref_slice %arg10[%dma_start3A_329, %dma_start3A_330] : memref<128x128xf32, #tpu.memory_space<vmem>> -> memref<128x128xf32, #tpu.memory_space<vmem>>
      tpu.enqueue_dma source(%dma_start3A_331 : memref<128x128xf32, #tpu.memory_space<vmem>>) target(%dma_start3A_328 : memref<128x128xf32, #tpu.memory_space<vmem_shared>>) target_semaphore(%run_scoped3A : memref<!tpu.dma_semaphore, #tpu.memory_space<semaphore_mem>>)
      %dma_wait3A = arith.constant 0 : i32
      %dma_wait3A_332 = arith.constant 0 : i32
      %dma_wait3A_333 = tpu.memref_slice %arg10[%dma_wait3A, %dma_wait3A_332] : memref<128x128xf32, #tpu.memory_space<vmem>> -> memref<128x128xf32, #tpu.memory_space<vmem>>
      %dma_wait3A_334 = arith.constant 0 : i32
      %dma_wait3A_335 = tpu.memref_slice %arg12[%add3A_9, %dma_wait3A_334] : memref<10240x128xf32, #tpu.memory_space<vmem_shared>> -> memref<128x128xf32, #tpu.memory_space<vmem_shared>>
      %dma_wait3A_336 = arith.constant 0 : i32
      %dma_wait3A_337 = tpu.memref_slice %arg12[%add3A_9, %dma_wait3A_336] : memref<10240x128xf32, #tpu.memory_space<vmem_shared>> -> memref<128x128xf32, #tpu.memory_space<vmem_shared>>
      %dma_wait3A_338 = arith.constant 0 : i32
      %dma_wait3A_339 = arith.constant 0 : i32
      %dma_wait3A_340 = tpu.memref_slice %arg10[%dma_wait3A_338, %dma_wait3A_339] : memref<128x128xf32, #tpu.memory_space<vmem>> -> memref<128x128xf32, #tpu.memory_space<vmem>>
      tpu.wait_dma2 semaphore(%run_scoped3A : memref<!tpu.dma_semaphore, #tpu.memory_space<semaphore_mem>>) src(%dma_wait3A_340 : memref<128x128xf32, #tpu.memory_space<vmem>>) dst(%dma_wait3A_337 : memref<128x128xf32, #tpu.memory_space<vmem_shared>>)
      tpu.yield
    }) : () -> ()
    %add3A_10 = arith.constant 128 : i32
    %add3A_11 = arith.addi %mul3A_7, %add3A_10 : i32
    "tpu.region"() ({
      %run_scoped3A = tpu.sem_alloc : memref<!tpu.dma_semaphore, #tpu.memory_space<semaphore_mem>>
      %dma_start3A_322 = arith.constant 0 : i32
      %dma_start3A_323 = arith.constant 0 : i32
      %dma_start3A_324 = tpu.memref_slice %arg10[%dma_start3A_322, %dma_start3A_323] : memref<128x128xf32, #tpu.memory_space<vmem>> -> memref<128x128xf32, #tpu.memory_space<vmem>>
      %dma_start3A_325 = arith.constant 0 : i32
      %dma_start3A_326 = tpu.memref_slice %arg12[%add3A_11, %dma_start3A_325] : memref<10240x128xf32, #tpu.memory_space<vmem_shared>> -> memref<128x128xf32, #tpu.memory_space<vmem_shared>>
      %dma_start3A_327 = arith.constant 0 : i32
      %dma_start3A_328 = tpu.memref_slice %arg12[%add3A_11, %dma_start3A_327] : memref<10240x128xf32, #tpu.memory_space<vmem_shared>> -> memref<128x128xf32, #tpu.memory_space<vmem_shared>>
      %dma_start3A_329 = arith.constant 0 : i32
      %dma_start3A_330 = arith.constant 0 : i32
      %dma_start3A_331 = tpu.memref_slice %arg10[%dma_start3A_329, %dma_start3A_330] : memref<128x128xf32, #tpu.memory_space<vmem>> -> memref<128x128xf32, #tpu.memory_space<vmem>>
      tpu.enqueue_dma source(%dma_start3A_331 : memref<128x128xf32, #tpu.memory_space<vmem>>) target(%dma_start3A_328 : memref<128x128xf32, #tpu.memory_space<vmem_shared>>) target_semaphore(%run_scoped3A : memref<!tpu.dma_semaphore, #tpu.memory_space<semaphore_mem>>)
      %dma_wait3A = arith.constant 0 : i32
      %dma_wait3A_332 = arith.constant 0 : i32
      %dma_wait3A_333 = tpu.memref_slice %arg10[%dma_wait3A, %dma_wait3A_332] : memref<128x128xf32, #tpu.memory_space<vmem>> -> memref<128x128xf32, #tpu.memory_space<vmem>>
      %dma_wait3A_334 = arith.constant 0 : i32
      %dma_wait3A_335 = tpu.memref_slice %arg12[%add3A_11, %dma_wait3A_334] : memref<10240x128xf32, #tpu.memory_space<vmem_shared>> -> memref<128x128xf32, #tpu.memory_space<vmem_shared>>
      %dma_wait3A_336 = arith.constant 0 : i32
      %dma_wait3A_337 = tpu.memref_slice %arg12[%add3A_11, %dma_wait3A_336] : memref<10240x128xf32, #tpu.memory_space<vmem_shared>> -> memref<128x128xf32, #tpu.memory_space<vmem_shared>>
      %dma_wait3A_338 = arith.constant 0 : i32
      %dma_wait3A_339 = arith.constant 0 : i32
      %dma_wait3A_340 = tpu.memref_slice %arg10[%dma_wait3A_338, %dma_wait3A_339] : memref<128x128xf32, #tpu.memory_space<vmem>> -> memref<128x128xf32, #tpu.memory_space<vmem>>
      tpu.wait_dma2 semaphore(%run_scoped3A : memref<!tpu.dma_semaphore, #tpu.memory_space<semaphore_mem>>) src(%dma_wait3A_340 : memref<128x128xf32, #tpu.memory_space<vmem>>) dst(%dma_wait3A_337 : memref<128x128xf32, #tpu.memory_space<vmem_shared>>)
      tpu.yield
    }) : () -> ()
    %add3A_12 = arith.constant 256 : i32
    %add3A_13 = arith.addi %mul3A_7, %add3A_12 : i32
    "tpu.region"() ({
      %run_scoped3A = tpu.sem_alloc : memref<!tpu.dma_semaphore, #tpu.memory_space<semaphore_mem>>
      %dma_start3A_322 = arith.constant 0 : i32
      %dma_start3A_323 = arith.constant 0 : i32
      %dma_start3A_324 = tpu.memref_slice %arg10[%dma_start3A_322, %dma_start3A_323] : memref<128x128xf32, #tpu.memory_space<vmem>> -> memref<128x128xf32, #tpu.memory_space<vmem>>
      %dma_start3A_325 = arith.constant 0 : i32
      %dma_start3A_326 = tpu.memref_slice %arg12[%add3A_13, %dma_start3A_325] : memref<10240x128xf32, #tpu.memory_space<vmem_shared>> -> memref<128x128xf32, #tpu.memory_space<vmem_shared>>
      %dma_start3A_327 = arith.constant 0 : i32
      %dma_start3A_328 = tpu.memref_slice %arg12[%add3A_13, %dma_start3A_327] : memref<10240x128xf32, #tpu.memory_space<vmem_shared>> -> memref<128x128xf32, #tpu.memory_space<vmem_shared>>
      %dma_start3A_329 = arith.constant 0 : i32
      %dma_start3A_330 = arith.constant 0 : i32
      %dma_start3A_331 = tpu.memref_slice %arg10[%dma_start3A_329, %dma_start3A_330] : memref<128x128xf32, #tpu.memory_space<vmem>> -> memref<128x128xf32, #tpu.memory_space<vmem>>
      tpu.enqueue_dma source(%dma_start3A_331 : memref<128x128xf32, #tpu.memory_space<vmem>>) target(%dma_start3A_328 : memref<128x128xf32, #tpu.memory_space<vmem_shared>>) target_semaphore(%run_scoped3A : memref<!tpu.dma_semaphore, #tpu.memory_space<semaphore_mem>>)
      %dma_wait3A = arith.constant 0 : i32
      %dma_wait3A_332 = arith.constant 0 : i32
      %dma_wait3A_333 = tpu.memref_slice %arg10[%dma_wait3A, %dma_wait3A_332] : memref<128x128xf32, #tpu.memory_space<vmem>> -> memref<128x128xf32, #tpu.memory_space<vmem>>
      %dma_wait3A_334 = arith.constant 0 : i32
      %dma_wait3A_335 = tpu.memref_slice %arg12[%add3A_13, %dma_wait3A_334] : memref<10240x128xf32, #tpu.memory_space<vmem_shared>> -> memref<128x128xf32, #tpu.memory_space<vmem_shared>>
      %dma_wait3A_336 = arith.constant 0 : i32
      %dma_wait3A_337 = tpu.memref_slice %arg12[%add3A_13, %dma_wait3A_336] : memref<10240x128xf32, #tpu.memory_space<vmem_shared>> -> memref<128x128xf32, #tpu.memory_space<vmem_shared>>
      %dma_wait3A_338 = arith.constant 0 : i32
      %dma_wait3A_339 = arith.constant 0 : i32
      %dma_wait3A_340 = tpu.memref_slice %arg10[%dma_wait3A_338, %dma_wait3A_339] : memref<128x128xf32, #tpu.memory_space<vmem>> -> memref<128x128xf32, #tpu.memory_space<vmem>>
      tpu.wait_dma2 semaphore(%run_scoped3A : memref<!tpu.dma_semaphore, #tpu.memory_space<semaphore_mem>>) src(%dma_wait3A_340 : memref<128x128xf32, #tpu.memory_space<vmem>>) dst(%dma_wait3A_337 : memref<128x128xf32, #tpu.memory_space<vmem_shared>>)
      tpu.yield
    }) : () -> ()
    %add3A_14 = arith.constant 384 : i32
    %add3A_15 = arith.addi %mul3A_7, %add3A_14 : i32
    "tpu.region"() ({
      %run_scoped3A = tpu.sem_alloc : memref<!tpu.dma_semaphore, #tpu.memory_space<semaphore_mem>>
      %dma_start3A_322 = arith.constant 0 : i32
      %dma_start3A_323 = arith.constant 0 : i32
      %dma_start3A_324 = tpu.memref_slice %arg10[%dma_start3A_322, %dma_start3A_323] : memref<128x128xf32, #tpu.memory_space<vmem>> -> memref<128x128xf32, #tpu.memory_space<vmem>>
      %dma_start3A_325 = arith.constant 0 : i32
      %dma_start3A_326 = tpu.memref_slice %arg12[%add3A_15, %dma_start3A_325] : memref<10240x128xf32, #tpu.memory_space<vmem_shared>> -> memref<128x128xf32, #tpu.memory_space<vmem_shared>>
      %dma_start3A_327 = arith.constant 0 : i32
      %dma_start3A_328 = tpu.memref_slice %arg12[%add3A_15, %dma_start3A_327] : memref<10240x128xf32, #tpu.memory_space<vmem_shared>> -> memref<128x128xf32, #tpu.memory_space<vmem_shared>>
      %dma_start3A_329 = arith.constant 0 : i32
      %dma_start3A_330 = arith.constant 0 : i32
      %dma_start3A_331 = tpu.memref_slice %arg10[%dma_start3A_329, %dma_start3A_330] : memref<128x128xf32, #tpu.memory_space<vmem>> -> memref<128x128xf32, #tpu.memory_space<vmem>>
      tpu.enqueue_dma source(%dma_start3A_331 : memref<128x128xf32, #tpu.memory_space<vmem>>) target(%dma_start3A_328 : memref<128x128xf32, #tpu.memory_space<vmem_shared>>) target_semaphore(%run_scoped3A : memref<!tpu.dma_semaphore, #tpu.memory_space<semaphore_mem>>)
      %dma_wait3A = arith.constant 0 : i32
      %dma_wait3A_332 = arith.constant 0 : i32
      %dma_wait3A_333 = tpu.memref_slice %arg10[%dma_wait3A, %dma_wait3A_332] : memref<128x128xf32, #tpu.memory_space<vmem>> -> memref<128x128xf32, #tpu.memory_space<vmem>>
      %dma_wait3A_334 = arith.constant 0 : i32
      %dma_wait3A_335 = tpu.memref_slice %arg12[%add3A_15, %dma_wait3A_334] : memref<10240x128xf32, #tpu.memory_space<vmem_shared>> -> memref<128x128xf32, #tpu.memory_space<vmem_shared>>
      %dma_wait3A_336 = arith.constant 0 : i32
      %dma_wait3A_337 = tpu.memref_slice %arg12[%add3A_15, %dma_wait3A_336] : memref<10240x128xf32, #tpu.memory_space<vmem_shared>> -> memref<128x128xf32, #tpu.memory_space<vmem_shared>>
      %dma_wait3A_338 = arith.constant 0 : i32
      %dma_wait3A_339 = arith.constant 0 : i32
      %dma_wait3A_340 = tpu.memref_slice %arg10[%dma_wait3A_338, %dma_wait3A_339] : memref<128x128xf32, #tpu.memory_space<vmem>> -> memref<128x128xf32, #tpu.memory_space<vmem>>
      tpu.wait_dma2 semaphore(%run_scoped3A : memref<!tpu.dma_semaphore, #tpu.memory_space<semaphore_mem>>) src(%dma_wait3A_340 : memref<128x128xf32, #tpu.memory_space<vmem>>) dst(%dma_wait3A_337 : memref<128x128xf32, #tpu.memory_space<vmem_shared>>)
      tpu.yield
    }) : () -> ()
    %add3A_16 = arith.constant 512 : i32
    %add3A_17 = arith.addi %mul3A_7, %add3A_16 : i32
    "tpu.region"() ({
      %run_scoped3A = tpu.sem_alloc : memref<!tpu.dma_semaphore, #tpu.memory_space<semaphore_mem>>
      %dma_start3A_322 = arith.constant 0 : i32
      %dma_start3A_323 = arith.constant 0 : i32
      %dma_start3A_324 = tpu.memref_slice %arg10[%dma_start3A_322, %dma_start3A_323] : memref<128x128xf32, #tpu.memory_space<vmem>> -> memref<128x128xf32, #tpu.memory_space<vmem>>
      %dma_start3A_325 = arith.constant 0 : i32
      %dma_start3A_326 = tpu.memref_slice %arg12[%add3A_17, %dma_start3A_325] : memref<10240x128xf32, #tpu.memory_space<vmem_shared>> -> memref<128x128xf32, #tpu.memory_space<vmem_shared>>
      %dma_start3A_327 = arith.constant 0 : i32
      %dma_start3A_328 = tpu.memref_slice %arg12[%add3A_17, %dma_start3A_327] : memref<10240x128xf32, #tpu.memory_space<vmem_shared>> -> memref<128x128xf32, #tpu.memory_space<vmem_shared>>
      %dma_start3A_329 = arith.constant 0 : i32
      %dma_start3A_330 = arith.constant 0 : i32
      %dma_start3A_331 = tpu.memref_slice %arg10[%dma_start3A_329, %dma_start3A_330] : memref<128x128xf32, #tpu.memory_space<vmem>> -> memref<128x128xf32, #tpu.memory_space<vmem>>
      tpu.enqueue_dma source(%dma_start3A_331 : memref<128x128xf32, #tpu.memory_space<vmem>>) target(%dma_start3A_328 : memref<128x128xf32, #tpu.memory_space<vmem_shared>>) target_semaphore(%run_scoped3A : memref<!tpu.dma_semaphore, #tpu.memory_space<semaphore_mem>>)
      %dma_wait3A = arith.constant 0 : i32
      %dma_wait3A_332 = arith.constant 0 : i32
      %dma_wait3A_333 = tpu.memref_slice %arg10[%dma_wait3A, %dma_wait3A_332] : memref<128x128xf32, #tpu.memory_space<vmem>> -> memref<128x128xf32, #tpu.memory_space<vmem>>
      %dma_wait3A_334 = arith.constant 0 : i32
      %dma_wait3A_335 = tpu.memref_slice %arg12[%add3A_17, %dma_wait3A_334] : memref<10240x128xf32, #tpu.memory_space<vmem_shared>> -> memref<128x128xf32, #tpu.memory_space<vmem_shared>>
      %dma_wait3A_336 = arith.constant 0 : i32
      %dma_wait3A_337 = tpu.memref_slice %arg12[%add3A_17, %dma_wait3A_336] : memref<10240x128xf32, #tpu.memory_space<vmem_shared>> -> memref<128x128xf32, #tpu.memory_space<vmem_shared>>
      %dma_wait3A_338 = arith.constant 0 : i32
      %dma_wait3A_339 = arith.constant 0 : i32
      %dma_wait3A_340 = tpu.memref_slice %arg10[%dma_wait3A_338, %dma_wait3A_339] : memref<128x128xf32, #tpu.memory_space<vmem>> -> memref<128x128xf32, #tpu.memory_space<vmem>>
      tpu.wait_dma2 semaphore(%run_scoped3A : memref<!tpu.dma_semaphore, #tpu.memory_space<semaphore_mem>>) src(%dma_wait3A_340 : memref<128x128xf32, #tpu.memory_space<vmem>>) dst(%dma_wait3A_337 : memref<128x128xf32, #tpu.memory_space<vmem_shared>>)
      tpu.yield
    }) : () -> ()
    %mul3A_18 = arith.constant 80 : i32
    %mul3A_19 = arith.muli %add3A, %mul3A_18 : i32
    %mul3A_20 = arith.constant 128 : i32
    %mul3A_21 = arith.muli %mul3A_19, %mul3A_20 : i32
    "tpu.region"() ({
      %run_scoped3A = tpu.sem_alloc : memref<!tpu.dma_semaphore, #tpu.memory_space<semaphore_mem>>
      %dma_start3A_322 = tpu.memref_slice %arg3[%mul3A_21] : memref<327680xi32, #tpu.memory_space<hbm>> -> memref<10240xi32, #tpu.memory_space<hbm>>
      %dma_start3A_323 = tpu.memref_slice %arg3[%mul3A_21] : memref<327680xi32, #tpu.memory_space<hbm>> -> memref<10240xi32, #tpu.memory_space<hbm>>
      tpu.enqueue_dma source(%dma_start3A_323 : memref<10240xi32, #tpu.memory_space<hbm>>) target(%arg5 : memref<10240xi32, #tpu.memory_space<vmem>>) target_semaphore(%run_scoped3A : memref<!tpu.dma_semaphore, #tpu.memory_space<semaphore_mem>>)
      %dma_wait3A = tpu.memref_slice %arg3[%mul3A_21] : memref<327680xi32, #tpu.memory_space<hbm>> -> memref<10240xi32, #tpu.memory_space<hbm>>
      %dma_wait3A_324 = tpu.memref_slice %arg3[%mul3A_21] : memref<327680xi32, #tpu.memory_space<hbm>> -> memref<10240xi32, #tpu.memory_space<hbm>>
      tpu.wait_dma2 semaphore(%run_scoped3A : memref<!tpu.dma_semaphore, #tpu.memory_space<semaphore_mem>>) src(%dma_wait3A_324 : memref<10240xi32, #tpu.memory_space<hbm>>) dst(%arg5 : memref<10240xi32, #tpu.memory_space<vmem>>)
      tpu.yield
    }) : () -> ()
    %barrier3A = arith.constant 0 : index
    tpu.barrier barrier_id(%barrier3A)
    %get3A = arith.constant 0 : index
    %get3A_22 = tpu.vector_load %arg5[%get3A] {strides = array<i32>} : memref<10240xi32, #tpu.memory_space<vmem>>, vector<16xi32>,
    %get3A_23 = vector.shape_cast %get3A_22 : vector<16xi32> to vector<16xi32>
    %and3A = arith.constant 65535 : i32
    %and3A_24 = vector.broadcast %and3A : i32 to vector<16xi32>
    %and3A_25 = arith.andi %get3A_23, %and3A_24 : vector<16xi32>
    %swap3A = arith.constant 0 : index
    %swap3A_26 = tpu.vector_load %arg6[%swap3A] {strides = array<i32>} : memref<128xi32, #tpu.memory_space<vmem>>, vector<16xi32>,
    %swap3A_27 = vector.shape_cast %swap3A_26 : vector<16xi32> to vector<16xi32>
    %swap3A_28 = vector.shape_cast %and3A_25 : vector<16xi32> to vector<16xi32>
    tpu.vector_store %arg6[%swap3A], %swap3A_28 {strides = array<i32>} : memref<128xi32, #tpu.memory_space<vmem>>, vector<16xi32>,
    %shift_right_logical3A = arith.constant 16 : i32
    %shift_right_logical3A_29 = vector.broadcast %shift_right_logical3A : i32 to vector<16xi32>
    %shift_right_logical3A_30 = arith.shrui %get3A_23, %shift_right_logical3A_29 : vector<16xi32>
    %swap3A_31 = arith.constant 0 : index
    %swap3A_32 = tpu.vector_load %arg8[%swap3A_31] {strides = array<i32>} : memref<128xi32, #tpu.memory_space<vmem>>, vector<16xi32>,
    %swap3A_33 = vector.shape_cast %swap3A_32 : vector<16xi32> to vector<16xi32>
    %swap3A_34 = vector.shape_cast %shift_right_logical3A_30 : vector<16xi32> to vector<16xi32>
    tpu.vector_store %arg8[%swap3A_31], %swap3A_34 {strides = array<i32>} : memref<128xi32, #tpu.memory_space<vmem>>, vector<16xi32>,
    %get3A_35 = arith.constant 16 : index
    %get3A_36 = tpu.vector_load %arg5[%get3A_35] {strides = array<i32>} : memref<10240xi32, #tpu.memory_space<vmem>>, vector<16xi32>,
    %get3A_37 = vector.shape_cast %get3A_36 : vector<16xi32> to vector<16xi32>
    %and3A_38 = arith.constant 65535 : i32
    %and3A_39 = vector.broadcast %and3A_38 : i32 to vector<16xi32>
    %and3A_40 = arith.andi %get3A_37, %and3A_39 : vector<16xi32>
    %swap3A_41 = arith.constant 16 : index
    %swap3A_42 = tpu.vector_load %arg6[%swap3A_41] {strides = array<i32>} : memref<128xi32, #tpu.memory_space<vmem>>, vector<16xi32>,
    %swap3A_43 = vector.shape_cast %swap3A_42 : vector<16xi32> to vector<16xi32>
    %swap3A_44 = vector.shape_cast %and3A_40 : vector<16xi32> to vector<16xi32>
    tpu.vector_store %arg6[%swap3A_41], %swap3A_44 {strides = array<i32>} : memref<128xi32, #tpu.memory_space<vmem>>, vector<16xi32>,
    %shift_right_logical3A_45 = arith.constant 16 : i32
    %shift_right_logical3A_46 = vector.broadcast %shift_right_logical3A_45 : i32 to vector<16xi32>
    %shift_right_logical3A_47 = arith.shrui %get3A_37, %shift_right_logical3A_46 : vector<16xi32>
    %swap3A_48 = arith.constant 16 : index
    %swap3A_49 = tpu.vector_load %arg8[%swap3A_48] {strides = array<i32>} : memref<128xi32, #tpu.memory_space<vmem>>, vector<16xi32>,
    %swap3A_50 = vector.shape_cast %swap3A_49 : vector<16xi32> to vector<16xi32>
    %swap3A_51 = vector.shape_cast %shift_right_logical3A_47 : vector<16xi32> to vector<16xi32>
    tpu.vector_store %arg8[%swap3A_48], %swap3A_51 {strides = array<i32>} : memref<128xi32, #tpu.memory_space<vmem>>, vector<16xi32>,
    %get3A_52 = arith.constant 32 : index
    %get3A_53 = tpu.vector_load %arg5[%get3A_52] {strides = array<i32>} : memref<10240xi32, #tpu.memory_space<vmem>>, vector<16xi32>,
    %get3A_54 = vector.shape_cast %get3A_53 : vector<16xi32> to vector<16xi32>
    %and3A_55 = arith.constant 65535 : i32
    %and3A_56 = vector.broadcast %and3A_55 : i32 to vector<16xi32>
    %and3A_57 = arith.andi %get3A_54, %and3A_56 : vector<16xi32>
    %swap3A_58 = arith.constant 32 : index
    %swap3A_59 = tpu.vector_load %arg6[%swap3A_58] {strides = array<i32>} : memref<128xi32, #tpu.memory_space<vmem>>, vector<16xi32>,
    %swap3A_60 = vector.shape_cast %swap3A_59 : vector<16xi32> to vector<16xi32>
    %swap3A_61 = vector.shape_cast %and3A_57 : vector<16xi32> to vector<16xi32>
    tpu.vector_store %arg6[%swap3A_58], %swap3A_61 {strides = array<i32>} : memref<128xi32, #tpu.memory_space<vmem>>, vector<16xi32>,
    %shift_right_logical3A_62 = arith.constant 16 : i32
    %shift_right_logical3A_63 = vector.broadcast %shift_right_logical3A_62 : i32 to vector<16xi32>
    %shift_right_logical3A_64 = arith.shrui %get3A_54, %shift_right_logical3A_63 : vector<16xi32>
    %swap3A_65 = arith.constant 32 : index
    %swap3A_66 = tpu.vector_load %arg8[%swap3A_65] {strides = array<i32>} : memref<128xi32, #tpu.memory_space<vmem>>, vector<16xi32>,
    %swap3A_67 = vector.shape_cast %swap3A_66 : vector<16xi32> to vector<16xi32>
    %swap3A_68 = vector.shape_cast %shift_right_logical3A_64 : vector<16xi32> to vector<16xi32>
    tpu.vector_store %arg8[%swap3A_65], %swap3A_68 {strides = array<i32>} : memref<128xi32, #tpu.memory_space<vmem>>, vector<16xi32>,
    %get3A_69 = arith.constant 48 : index
    %get3A_70 = tpu.vector_load %arg5[%get3A_69] {strides = array<i32>} : memref<10240xi32, #tpu.memory_space<vmem>>, vector<16xi32>,
    %get3A_71 = vector.shape_cast %get3A_70 : vector<16xi32> to vector<16xi32>
    %and3A_72 = arith.constant 65535 : i32
    %and3A_73 = vector.broadcast %and3A_72 : i32 to vector<16xi32>
    %and3A_74 = arith.andi %get3A_71, %and3A_73 : vector<16xi32>
    %swap3A_75 = arith.constant 48 : index
    %swap3A_76 = tpu.vector_load %arg6[%swap3A_75] {strides = array<i32>} : memref<128xi32, #tpu.memory_space<vmem>>, vector<16xi32>,
    %swap3A_77 = vector.shape_cast %swap3A_76 : vector<16xi32> to vector<16xi32>
    %swap3A_78 = vector.shape_cast %and3A_74 : vector<16xi32> to vector<16xi32>
    tpu.vector_store %arg6[%swap3A_75], %swap3A_78 {strides = array<i32>} : memref<128xi32, #tpu.memory_space<vmem>>, vector<16xi32>,
    %shift_right_logical3A_79 = arith.constant 16 : i32
    %shift_right_logical3A_80 = vector.broadcast %shift_right_logical3A_79 : i32 to vector<16xi32>
    %shift_right_logical3A_81 = arith.shrui %get3A_71, %shift_right_logical3A_80 : vector<16xi32>
    %swap3A_82 = arith.constant 48 : index
    %swap3A_83 = tpu.vector_load %arg8[%swap3A_82] {strides = array<i32>} : memref<128xi32, #tpu.memory_space<vmem>>, vector<16xi32>,
    %swap3A_84 = vector.shape_cast %swap3A_83 : vector<16xi32> to vector<16xi32>
    %swap3A_85 = vector.shape_cast %shift_right_logical3A_81 : vector<16xi32> to vector<16xi32>
    tpu.vector_store %arg8[%swap3A_82], %swap3A_85 {strides = array<i32>} : memref<128xi32, #tpu.memory_space<vmem>>, vector<16xi32>,
    %get3A_86 = arith.constant 64 : index
    %get3A_87 = tpu.vector_load %arg5[%get3A_86] {strides = array<i32>} : memref<10240xi32, #tpu.memory_space<vmem>>, vector<16xi32>,
    %get3A_88 = vector.shape_cast %get3A_87 : vector<16xi32> to vector<16xi32>
    %and3A_89 = arith.constant 65535 : i32
    %and3A_90 = vector.broadcast %and3A_89 : i32 to vector<16xi32>
    %and3A_91 = arith.andi %get3A_88, %and3A_90 : vector<16xi32>
    %swap3A_92 = arith.constant 64 : index
    %swap3A_93 = tpu.vector_load %arg6[%swap3A_92] {strides = array<i32>} : memref<128xi32, #tpu.memory_space<vmem>>, vector<16xi32>,
    %swap3A_94 = vector.shape_cast %swap3A_93 : vector<16xi32> to vector<16xi32>
    %swap3A_95 = vector.shape_cast %and3A_91 : vector<16xi32> to vector<16xi32>
    tpu.vector_store %arg6[%swap3A_92], %swap3A_95 {strides = array<i32>} : memref<128xi32, #tpu.memory_space<vmem>>, vector<16xi32>,
    %shift_right_logical3A_96 = arith.constant 16 : i32
    %shift_right_logical3A_97 = vector.broadcast %shift_right_logical3A_96 : i32 to vector<16xi32>
    %shift_right_logical3A_98 = arith.shrui %get3A_88, %shift_right_logical3A_97 : vector<16xi32>
    %swap3A_99 = arith.constant 64 : index
    %swap3A_100 = tpu.vector_load %arg8[%swap3A_99] {strides = array<i32>} : memref<128xi32, #tpu.memory_space<vmem>>, vector<16xi32>,
    %swap3A_101 = vector.shape_cast %swap3A_100 : vector<16xi32> to vector<16xi32>
    %swap3A_102 = vector.shape_cast %shift_right_logical3A_98 : vector<16xi32> to vector<16xi32>
    tpu.vector_store %arg8[%swap3A_99], %swap3A_102 {strides = array<i32>} : memref<128xi32, #tpu.memory_space<vmem>>, vector<16xi32>,
    %get3A_103 = arith.constant 80 : index
    %get3A_104 = tpu.vector_load %arg5[%get3A_103] {strides = array<i32>} : memref<10240xi32, #tpu.memory_space<vmem>>, vector<16xi32>,
    %get3A_105 = vector.shape_cast %get3A_104 : vector<16xi32> to vector<16xi32>
    %and3A_106 = arith.constant 65535 : i32
    %and3A_107 = vector.broadcast %and3A_106 : i32 to vector<16xi32>
    %and3A_108 = arith.andi %get3A_105, %and3A_107 : vector<16xi32>
    %swap3A_109 = arith.constant 80 : index
    %swap3A_110 = tpu.vector_load %arg6[%swap3A_109] {strides = array<i32>} : memref<128xi32, #tpu.memory_space<vmem>>, vector<16xi32>,
    %swap3A_111 = vector.shape_cast %swap3A_110 : vector<16xi32> to vector<16xi32>
    %swap3A_112 = vector.shape_cast %and3A_108 : vector<16xi32> to vector<16xi32>
    tpu.vector_store %arg6[%swap3A_109], %swap3A_112 {strides = array<i32>} : memref<128xi32, #tpu.memory_space<vmem>>, vector<16xi32>,
    %shift_right_logical3A_113 = arith.constant 16 : i32
    %shift_right_logical3A_114 = vector.broadcast %shift_right_logical3A_113 : i32 to vector<16xi32>
    %shift_right_logical3A_115 = arith.shrui %get3A_105, %shift_right_logical3A_114 : vector<16xi32>
    %swap3A_116 = arith.constant 80 : index
    %swap3A_117 = tpu.vector_load %arg8[%swap3A_116] {strides = array<i32>} : memref<128xi32, #tpu.memory_space<vmem>>, vector<16xi32>,
    %swap3A_118 = vector.shape_cast %swap3A_117 : vector<16xi32> to vector<16xi32>
    %swap3A_119 = vector.shape_cast %shift_right_logical3A_115 : vector<16xi32> to vector<16xi32>
    tpu.vector_store %arg8[%swap3A_116], %swap3A_119 {strides = array<i32>} : memref<128xi32, #tpu.memory_space<vmem>>, vector<16xi32>,
    %get3A_120 = arith.constant 96 : index
    %get3A_121 = tpu.vector_load %arg5[%get3A_120] {strides = array<i32>} : memref<10240xi32, #tpu.memory_space<vmem>>, vector<16xi32>,
    %get3A_122 = vector.shape_cast %get3A_121 : vector<16xi32> to vector<16xi32>
    %and3A_123 = arith.constant 65535 : i32
    %and3A_124 = vector.broadcast %and3A_123 : i32 to vector<16xi32>
    %and3A_125 = arith.andi %get3A_122, %and3A_124 : vector<16xi32>
    %swap3A_126 = arith.constant 96 : index
    %swap3A_127 = tpu.vector_load %arg6[%swap3A_126] {strides = array<i32>} : memref<128xi32, #tpu.memory_space<vmem>>, vector<16xi32>,
    %swap3A_128 = vector.shape_cast %swap3A_127 : vector<16xi32> to vector<16xi32>
    %swap3A_129 = vector.shape_cast %and3A_125 : vector<16xi32> to vector<16xi32>
    tpu.vector_store %arg6[%swap3A_126], %swap3A_129 {strides = array<i32>} : memref<128xi32, #tpu.memory_space<vmem>>, vector<16xi32>,
    %shift_right_logical3A_130 = arith.constant 16 : i32
    %shift_right_logical3A_131 = vector.broadcast %shift_right_logical3A_130 : i32 to vector<16xi32>
    %shift_right_logical3A_132 = arith.shrui %get3A_122, %shift_right_logical3A_131 : vector<16xi32>
    %swap3A_133 = arith.constant 96 : index
    %swap3A_134 = tpu.vector_load %arg8[%swap3A_133] {strides = array<i32>} : memref<128xi32, #tpu.memory_space<vmem>>, vector<16xi32>,
    %swap3A_135 = vector.shape_cast %swap3A_134 : vector<16xi32> to vector<16xi32>
    %swap3A_136 = vector.shape_cast %shift_right_logical3A_132 : vector<16xi32> to vector<16xi32>
    tpu.vector_store %arg8[%swap3A_133], %swap3A_136 {strides = array<i32>} : memref<128xi32, #tpu.memory_space<vmem>>, vector<16xi32>,
    %get3A_137 = arith.constant 112 : index
    %get3A_138 = tpu.vector_load %arg5[%get3A_137] {strides = array<i32>} : memref<10240xi32, #tpu.memory_space<vmem>>, vector<16xi32>,
    %get3A_139 = vector.shape_cast %get3A_138 : vector<16xi32> to vector<16xi32>
    %and3A_140 = arith.constant 65535 : i32
    %and3A_141 = vector.broadcast %and3A_140 : i32 to vector<16xi32>
    %and3A_142 = arith.andi %get3A_139, %and3A_141 : vector<16xi32>
    %swap3A_143 = arith.constant 112 : index
    %swap3A_144 = tpu.vector_load %arg6[%swap3A_143] {strides = array<i32>} : memref<128xi32, #tpu.memory_space<vmem>>, vector<16xi32>,
    %swap3A_145 = vector.shape_cast %swap3A_144 : vector<16xi32> to vector<16xi32>
    %swap3A_146 = vector.shape_cast %and3A_142 : vector<16xi32> to vector<16xi32>
    tpu.vector_store %arg6[%swap3A_143], %swap3A_146 {strides = array<i32>} : memref<128xi32, #tpu.memory_space<vmem>>, vector<16xi32>,
    %shift_right_logical3A_147 = arith.constant 16 : i32
    %shift_right_logical3A_148 = vector.broadcast %shift_right_logical3A_147 : i32 to vector<16xi32>
    %shift_right_logical3A_149 = arith.shrui %get3A_139, %shift_right_logical3A_148 : vector<16xi32>
    %swap3A_150 = arith.constant 112 : index
    %swap3A_151 = tpu.vector_load %arg8[%swap3A_150] {strides = array<i32>} : memref<128xi32, #tpu.memory_space<vmem>>, vector<16xi32>,
    %swap3A_152 = vector.shape_cast %swap3A_151 : vector<16xi32> to vector<16xi32>
    %swap3A_153 = vector.shape_cast %shift_right_logical3A_149 : vector<16xi32> to vector<16xi32>
    tpu.vector_store %arg8[%swap3A_150], %swap3A_153 {strides = array<i32>} : memref<128xi32, #tpu.memory_space<vmem>>, vector<16xi32>,
    %get3A_154 = arith.constant 128 : index
    %get3A_155 = tpu.vector_load %arg5[%get3A_154] {strides = array<i32>} : memref<10240xi32, #tpu.memory_space<vmem>>, vector<16xi32>,
    %get3A_156 = vector.shape_cast %get3A_155 : vector<16xi32> to vector<16xi32>
    %and3A_157 = arith.constant 65535 : i32
    %and3A_158 = vector.broadcast %and3A_157 : i32 to vector<16xi32>
    %and3A_159 = arith.andi %get3A_156, %and3A_158 : vector<16xi32>
    %swap3A_160 = arith.constant 0 : index
    %swap3A_161 = tpu.vector_load %arg7[%swap3A_160] {strides = array<i32>} : memref<128xi32, #tpu.memory_space<vmem>>, vector<16xi32>,
    %swap3A_162 = vector.shape_cast %swap3A_161 : vector<16xi32> to vector<16xi32>
    %swap3A_163 = vector.shape_cast %and3A_159 : vector<16xi32> to vector<16xi32>
    tpu.vector_store %arg7[%swap3A_160], %swap3A_163 {strides = array<i32>} : memref<128xi32, #tpu.memory_space<vmem>>, vector<16xi32>,
    %shift_right_logical3A_164 = arith.constant 16 : i32
    %shift_right_logical3A_165 = vector.broadcast %shift_right_logical3A_164 : i32 to vector<16xi32>
    %shift_right_logical3A_166 = arith.shrui %get3A_156, %shift_right_logical3A_165 : vector<16xi32>
    %swap3A_167 = arith.constant 0 : index
    %swap3A_168 = tpu.vector_load %arg9[%swap3A_167] {strides = array<i32>} : memref<128xi32, #tpu.memory_space<vmem>>, vector<16xi32>,
    %swap3A_169 = vector.shape_cast %swap3A_168 : vector<16xi32> to vector<16xi32>
    %swap3A_170 = vector.shape_cast %shift_right_logical3A_166 : vector<16xi32> to vector<16xi32>
    tpu.vector_store %arg9[%swap3A_167], %swap3A_170 {strides = array<i32>} : memref<128xi32, #tpu.memory_space<vmem>>, vector<16xi32>,
    %get3A_171 = arith.constant 144 : index
    %get3A_172 = tpu.vector_load %arg5[%get3A_171] {strides = array<i32>} : memref<10240xi32, #tpu.memory_space<vmem>>, vector<16xi32>,
    %get3A_173 = vector.shape_cast %get3A_172 : vector<16xi32> to vector<16xi32>
    %and3A_174 = arith.constant 65535 : i32
    %and3A_175 = vector.broadcast %and3A_174 : i32 to vector<16xi32>
    %and3A_176 = arith.andi %get3A_173, %and3A_175 : vector<16xi32>
    %swap3A_177 = arith.constant 16 : index
    %swap3A_178 = tpu.vector_load %arg7[%swap3A_177] {strides = array<i32>} : memref<128xi32, #tpu.memory_space<vmem>>, vector<16xi32>,
    %swap3A_179 = vector.shape_cast %swap3A_178 : vector<16xi32> to vector<16xi32>
    %swap3A_180 = vector.shape_cast %and3A_176 : vector<16xi32> to vector<16xi32>
    tpu.vector_store %arg7[%swap3A_177], %swap3A_180 {strides = array<i32>} : memref<128xi32, #tpu.memory_space<vmem>>, vector<16xi32>,
    %shift_right_logical3A_181 = arith.constant 16 : i32
    %shift_right_logical3A_182 = vector.broadcast %shift_right_logical3A_181 : i32 to vector<16xi32>
    %shift_right_logical3A_183 = arith.shrui %get3A_173, %shift_right_logical3A_182 : vector<16xi32>
    %swap3A_184 = arith.constant 16 : index
    %swap3A_185 = tpu.vector_load %arg9[%swap3A_184] {strides = array<i32>} : memref<128xi32, #tpu.memory_space<vmem>>, vector<16xi32>,
    %swap3A_186 = vector.shape_cast %swap3A_185 : vector<16xi32> to vector<16xi32>
    %swap3A_187 = vector.shape_cast %shift_right_logical3A_183 : vector<16xi32> to vector<16xi32>
    tpu.vector_store %arg9[%swap3A_184], %swap3A_187 {strides = array<i32>} : memref<128xi32, #tpu.memory_space<vmem>>, vector<16xi32>,
    %get3A_188 = arith.constant 160 : index
    %get3A_189 = tpu.vector_load %arg5[%get3A_188] {strides = array<i32>} : memref<10240xi32, #tpu.memory_space<vmem>>, vector<16xi32>,
    %get3A_190 = vector.shape_cast %get3A_189 : vector<16xi32> to vector<16xi32>
    %and3A_191 = arith.constant 65535 : i32
    %and3A_192 = vector.broadcast %and3A_191 : i32 to vector<16xi32>
    %and3A_193 = arith.andi %get3A_190, %and3A_192 : vector<16xi32>
    %swap3A_194 = arith.constant 32 : index
    %swap3A_195 = tpu.vector_load %arg7[%swap3A_194] {strides = array<i32>} : memref<128xi32, #tpu.memory_space<vmem>>, vector<16xi32>,
    %swap3A_196 = vector.shape_cast %swap3A_195 : vector<16xi32> to vector<16xi32>
    %swap3A_197 = vector.shape_cast %and3A_193 : vector<16xi32> to vector<16xi32>
    tpu.vector_store %arg7[%swap3A_194], %swap3A_197 {strides = array<i32>} : memref<128xi32, #tpu.memory_space<vmem>>, vector<16xi32>,
    %shift_right_logical3A_198 = arith.constant 16 : i32
    %shift_right_logical3A_199 = vector.broadcast %shift_right_logical3A_198 : i32 to vector<16xi32>
    %shift_right_logical3A_200 = arith.shrui %get3A_190, %shift_right_logical3A_199 : vector<16xi32>
    %swap3A_201 = arith.constant 32 : index
    %swap3A_202 = tpu.vector_load %arg9[%swap3A_201] {strides = array<i32>} : memref<128xi32, #tpu.memory_space<vmem>>, vector<16xi32>,
    %swap3A_203 = vector.shape_cast %swap3A_202 : vector<16xi32> to vector<16xi32>
    %swap3A_204 = vector.shape_cast %shift_right_logical3A_200 : vector<16xi32> to vector<16xi32>
    tpu.vector_store %arg9[%swap3A_201], %swap3A_204 {strides = array<i32>} : memref<128xi32, #tpu.memory_space<vmem>>, vector<16xi32>,
    %get3A_205 = arith.constant 176 : index
    %get3A_206 = tpu.vector_load %arg5[%get3A_205] {strides = array<i32>} : memref<10240xi32, #tpu.memory_space<vmem>>, vector<16xi32>,
    %get3A_207 = vector.shape_cast %get3A_206 : vector<16xi32> to vector<16xi32>
    %and3A_208 = arith.constant 65535 : i32
    %and3A_209 = vector.broadcast %and3A_208 : i32 to vector<16xi32>
    %and3A_210 = arith.andi %get3A_207, %and3A_209 : vector<16xi32>
    %swap3A_211 = arith.constant 48 : index
    %swap3A_212 = tpu.vector_load %arg7[%swap3A_211] {strides = array<i32>} : memref<128xi32, #tpu.memory_space<vmem>>, vector<16xi32>,
    %swap3A_213 = vector.shape_cast %swap3A_212 : vector<16xi32> to vector<16xi32>
    %swap3A_214 = vector.shape_cast %and3A_210 : vector<16xi32> to vector<16xi32>
    tpu.vector_store %arg7[%swap3A_211], %swap3A_214 {strides = array<i32>} : memref<128xi32, #tpu.memory_space<vmem>>, vector<16xi32>,
    %shift_right_logical3A_215 = arith.constant 16 : i32
    %shift_right_logical3A_216 = vector.broadcast %shift_right_logical3A_215 : i32 to vector<16xi32>
    %shift_right_logical3A_217 = arith.shrui %get3A_207, %shift_right_logical3A_216 : vector<16xi32>
    %swap3A_218 = arith.constant 48 : index
    %swap3A_219 = tpu.vector_load %arg9[%swap3A_218] {strides = array<i32>} : memref<128xi32, #tpu.memory_space<vmem>>, vector<16xi32>,
    %swap3A_220 = vector.shape_cast %swap3A_219 : vector<16xi32> to vector<16xi32>
    %swap3A_221 = vector.shape_cast %shift_right_logical3A_217 : vector<16xi32> to vector<16xi32>
    tpu.vector_store %arg9[%swap3A_218], %swap3A_221 {strides = array<i32>} : memref<128xi32, #tpu.memory_space<vmem>>, vector<16xi32>,
    %get3A_222 = arith.constant 192 : index
    %get3A_223 = tpu.vector_load %arg5[%get3A_222] {strides = array<i32>} : memref<10240xi32, #tpu.memory_space<vmem>>, vector<16xi32>,
    %get3A_224 = vector.shape_cast %get3A_223 : vector<16xi32> to vector<16xi32>
    %and3A_225 = arith.constant 65535 : i32
    %and3A_226 = vector.broadcast %and3A_225 : i32 to vector<16xi32>
    %and3A_227 = arith.andi %get3A_224, %and3A_226 : vector<16xi32>
    %swap3A_228 = arith.constant 64 : index
    %swap3A_229 = tpu.vector_load %arg7[%swap3A_228] {strides = array<i32>} : memref<128xi32, #tpu.memory_space<vmem>>, vector<16xi32>,
    %swap3A_230 = vector.shape_cast %swap3A_229 : vector<16xi32> to vector<16xi32>
    %swap3A_231 = vector.shape_cast %and3A_227 : vector<16xi32> to vector<16xi32>
    tpu.vector_store %arg7[%swap3A_228], %swap3A_231 {strides = array<i32>} : memref<128xi32, #tpu.memory_space<vmem>>, vector<16xi32>,
    %shift_right_logical3A_232 = arith.constant 16 : i32
    %shift_right_logical3A_233 = vector.broadcast %shift_right_logical3A_232 : i32 to vector<16xi32>
    %shift_right_logical3A_234 = arith.shrui %get3A_224, %shift_right_logical3A_233 : vector<16xi32>
    %swap3A_235 = arith.constant 64 : index
    %swap3A_236 = tpu.vector_load %arg9[%swap3A_235] {strides = array<i32>} : memref<128xi32, #tpu.memory_space<vmem>>, vector<16xi32>,
    %swap3A_237 = vector.shape_cast %swap3A_236 : vector<16xi32> to vector<16xi32>
    %swap3A_238 = vector.shape_cast %shift_right_logical3A_234 : vector<16xi32> to vector<16xi32>
    tpu.vector_store %arg9[%swap3A_235], %swap3A_238 {strides = array<i32>} : memref<128xi32, #tpu.memory_space<vmem>>, vector<16xi32>,
    %get3A_239 = arith.constant 208 : index
    %get3A_240 = tpu.vector_load %arg5[%get3A_239] {strides = array<i32>} : memref<10240xi32, #tpu.memory_space<vmem>>, vector<16xi32>,
    %get3A_241 = vector.shape_cast %get3A_240 : vector<16xi32> to vector<16xi32>
    %and3A_242 = arith.constant 65535 : i32
    %and3A_243 = vector.broadcast %and3A_242 : i32 to vector<16xi32>
    %and3A_244 = arith.andi %get3A_241, %and3A_243 : vector<16xi32>
    %swap3A_245 = arith.constant 80 : index
    %swap3A_246 = tpu.vector_load %arg7[%swap3A_245] {strides = array<i32>} : memref<128xi32, #tpu.memory_space<vmem>>, vector<16xi32>,
    %swap3A_247 = vector.shape_cast %swap3A_246 : vector<16xi32> to vector<16xi32>
    %swap3A_248 = vector.shape_cast %and3A_244 : vector<16xi32> to vector<16xi32>
    tpu.vector_store %arg7[%swap3A_245], %swap3A_248 {strides = array<i32>} : memref<128xi32, #tpu.memory_space<vmem>>, vector<16xi32>,
    %shift_right_logical3A_249 = arith.constant 16 : i32
    %shift_right_logical3A_250 = vector.broadcast %shift_right_logical3A_249 : i32 to vector<16xi32>
    %shift_right_logical3A_251 = arith.shrui %get3A_241, %shift_right_logical3A_250 : vector<16xi32>
    %swap3A_252 = arith.constant 80 : index
    %swap3A_253 = tpu.vector_load %arg9[%swap3A_252] {strides = array<i32>} : memref<128xi32, #tpu.memory_space<vmem>>, vector<16xi32>,
    %swap3A_254 = vector.shape_cast %swap3A_253 : vector<16xi32> to vector<16xi32>
    %swap3A_255 = vector.shape_cast %shift_right_logical3A_251 : vector<16xi32> to vector<16xi32>
    tpu.vector_store %arg9[%swap3A_252], %swap3A_255 {strides = array<i32>} : memref<128xi32, #tpu.memory_space<vmem>>, vector<16xi32>,
    %get3A_256 = arith.constant 224 : index
    %get3A_257 = tpu.vector_load %arg5[%get3A_256] {strides = array<i32>} : memref<10240xi32, #tpu.memory_space<vmem>>, vector<16xi32>,
    %get3A_258 = vector.shape_cast %get3A_257 : vector<16xi32> to vector<16xi32>
    %and3A_259 = arith.constant 65535 : i32
    %and3A_260 = vector.broadcast %and3A_259 : i32 to vector<16xi32>
    %and3A_261 = arith.andi %get3A_258, %and3A_260 : vector<16xi32>
    %swap3A_262 = arith.constant 96 : index
    %swap3A_263 = tpu.vector_load %arg7[%swap3A_262] {strides = array<i32>} : memref<128xi32, #tpu.memory_space<vmem>>, vector<16xi32>,
    %swap3A_264 = vector.shape_cast %swap3A_263 : vector<16xi32> to vector<16xi32>
    %swap3A_265 = vector.shape_cast %and3A_261 : vector<16xi32> to vector<16xi32>
    tpu.vector_store %arg7[%swap3A_262], %swap3A_265 {strides = array<i32>} : memref<128xi32, #tpu.memory_space<vmem>>, vector<16xi32>,
    %shift_right_logical3A_266 = arith.constant 16 : i32
    %shift_right_logical3A_267 = vector.broadcast %shift_right_logical3A_266 : i32 to vector<16xi32>
    %shift_right_logical3A_268 = arith.shrui %get3A_258, %shift_right_logical3A_267 : vector<16xi32>
    %swap3A_269 = arith.constant 96 : index
    %swap3A_270 = tpu.vector_load %arg9[%swap3A_269] {strides = array<i32>} : memref<128xi32, #tpu.memory_space<vmem>>, vector<16xi32>,
    %swap3A_271 = vector.shape_cast %swap3A_270 : vector<16xi32> to vector<16xi32>
    %swap3A_272 = vector.shape_cast %shift_right_logical3A_268 : vector<16xi32> to vector<16xi32>
    tpu.vector_store %arg9[%swap3A_269], %swap3A_272 {strides = array<i32>} : memref<128xi32, #tpu.memory_space<vmem>>, vector<16xi32>,
    %get3A_273 = arith.constant 240 : index
    %get3A_274 = tpu.vector_load %arg5[%get3A_273] {strides = array<i32>} : memref<10240xi32, #tpu.memory_space<vmem>>, vector<16xi32>,
    %get3A_275 = vector.shape_cast %get3A_274 : vector<16xi32> to vector<16xi32>
    %and3A_276 = arith.constant 65535 : i32
    %and3A_277 = vector.broadcast %and3A_276 : i32 to vector<16xi32>
    %and3A_278 = arith.andi %get3A_275, %and3A_277 : vector<16xi32>
    %swap3A_279 = arith.constant 112 : index
    %swap3A_280 = tpu.vector_load %arg7[%swap3A_279] {strides = array<i32>} : memref<128xi32, #tpu.memory_space<vmem>>, vector<16xi32>,
    %swap3A_281 = vector.shape_cast %swap3A_280 : vector<16xi32> to vector<16xi32>
    %swap3A_282 = vector.shape_cast %and3A_278 : vector<16xi32> to vector<16xi32>
    tpu.vector_store %arg7[%swap3A_279], %swap3A_282 {strides = array<i32>} : memref<128xi32, #tpu.memory_space<vmem>>, vector<16xi32>,
    %shift_right_logical3A_283 = arith.constant 16 : i32
    %shift_right_logical3A_284 = vector.broadcast %shift_right_logical3A_283 : i32 to vector<16xi32>
    %shift_right_logical3A_285 = arith.shrui %get3A_275, %shift_right_logical3A_284 : vector<16xi32>
    %swap3A_286 = arith.constant 112 : index
    %swap3A_287 = tpu.vector_load %arg9[%swap3A_286] {strides = array<i32>} : memref<128xi32, #tpu.memory_space<vmem>>, vector<16xi32>,
    %swap3A_288 = vector.shape_cast %swap3A_287 : vector<16xi32> to vector<16xi32>
    %swap3A_289 = vector.shape_cast %shift_right_logical3A_285 : vector<16xi32> to vector<16xi32>
    tpu.vector_store %arg9[%swap3A_286], %swap3A_289 {strides = array<i32>} : memref<128xi32, #tpu.memory_space<vmem>>, vector<16xi32>,
    %dma_start3A = arith.constant 0 : i32
    %dma_start3A_290 = arith.constant 0 : i32
    %dma_start3A_291 = tpu.memref_slice %arg2[%dma_start3A, %dma_start3A_290] : memref<10000x128xf32, #tpu.memory_space<hbm>> -> memref<10000x128xf32, #tpu.memory_space<hbm>>
    tpu.enqueue_indirect_dma source(%dma_start3A_291 : memref<10000x128xf32, #tpu.memory_space<hbm>>) target(%arg10 : memref<128x128xf32, #tpu.memory_space<vmem>>) offsets(%arg6 : memref<128xi32, #tpu.memory_space<vmem>>) semaphore(%arg13 : memref<!tpu.dma_semaphore, #tpu.memory_space<semaphore_mem>>)
    %scan3A_292 = arith.constant 0 : i32
    %scan3A_293 = arith.constant 0 : i32
    %scan3A_294 = arith.constant 40 : i32
    %scan3A_295 = arith.addi %scan3A_293, %scan3A_294 : i32
    %scan3A_296 = arith.constant 1 : i32
    scf.for %scan3A_322 = %scan3A_293 to %scan3A_295 step %scan3A_296  : i32 {
      %mul3A_323 = arith.constant 2 : i32
      %mul3A_324 = arith.muli %mul3A_323, %scan3A_322 : i32
      %dma_start3A_325 = arith.constant 0 : i32
      %dma_start3A_326 = arith.constant 0 : i32
      %dma_start3A_327 = tpu.memref_slice %arg2[%dma_start3A_325, %dma_start3A_326] : memref<10000x128xf32, #tpu.memory_space<hbm>> -> memref<10000x128xf32, #tpu.memory_space<hbm>>
      tpu.enqueue_indirect_dma source(%dma_start3A_327 : memref<10000x128xf32, #tpu.memory_space<hbm>>) target(%arg11 : memref<128x128xf32, #tpu.memory_space<vmem>>) offsets(%arg7 : memref<128xi32, #tpu.memory_space<vmem>>) semaphore(%arg14 : memref<!tpu.dma_semaphore, #tpu.memory_space<semaphore_mem>>)
      %dma_wait3A = arith.constant 0 : i32
      %dma_wait3A_328 = arith.constant 0 : i32
      %dma_wait3A_329 = tpu.memref_slice %arg2[%dma_wait3A, %dma_wait3A_328] : memref<10000x128xf32, #tpu.memory_space<hbm>> -> memref<10000x128xf32, #tpu.memory_space<hbm>>
      tpu.wait_indirect_dma semaphore(%arg13 : memref<!tpu.dma_semaphore, #tpu.memory_space<semaphore_mem>>) src(%dma_wait3A_329 : memref<10000x128xf32, #tpu.memory_space<hbm>>) dst(%arg10 : memref<128x128xf32, #tpu.memory_space<vmem>>)
      "tpu.region"() ({
        %run_scoped3A = tpu.sem_alloc : memref<!tpu.dma_semaphore, #tpu.memory_space<semaphore_mem>>
        %dma_start3A_344 = arith.constant 0 : i32
        %dma_start3A_345 = arith.constant 0 : i32
        %dma_start3A_346 = tpu.memref_slice %arg12[%dma_start3A_344, %dma_start3A_345] : memref<10240x128xf32, #tpu.memory_space<vmem_shared>> -> memref<10240x128xf32, #tpu.memory_space<vmem_shared>>
        tpu.enqueue_indirect_dma source(%arg10 : memref<128x128xf32, #tpu.memory_space<vmem>>) target(%dma_start3A_346 : memref<10240x128xf32, #tpu.memory_space<vmem_shared>>) offsets(%arg8 : memref<128xi32, #tpu.memory_space<vmem>>) semaphore(%run_scoped3A : memref<!tpu.dma_semaphore, #tpu.memory_space<semaphore_mem>>) {add = true}
        %dma_wait3A_347 = arith.constant 0 : i32
        %dma_wait3A_348 = arith.constant 0 : i32
        %dma_wait3A_349 = tpu.memref_slice %arg12[%dma_wait3A_347, %dma_wait3A_348] : memref<10240x128xf32, #tpu.memory_space<vmem_shared>> -> memref<10240x128xf32, #tpu.memory_space<vmem_shared>>
        tpu.wait_indirect_dma semaphore(%run_scoped3A : memref<!tpu.dma_semaphore, #tpu.memory_space<semaphore_mem>>) src(%arg10 : memref<128x128xf32, #tpu.memory_space<vmem>>) dst(%dma_wait3A_349 : memref<10240x128xf32, #tpu.memory_space<vmem_shared>>)
        tpu.yield
      }) : () -> ()
      %add3A_330 = arith.constant 2 : i32
      %add3A_331 = arith.addi %mul3A_324, %add3A_330 : i32
      %lt3A = arith.constant 80 : i32
      %lt3A_332 = arith.cmpi slt, %add3A_331, %lt3A : i32
      %convert_element_type3A = arith.extui %lt3A_332 : i1 to i32
      %cond3A = arith.constant 0 : i32
      %cond3A_333 = arith.cmpi ne, %convert_element_type3A, %cond3A : i32
      scf.if %cond3A_333 {
        %add3A_344 = arith.constant 2 : i32
        %add3A_345 = arith.addi %mul3A_324, %add3A_344 : i32
        %mul3A_346 = arith.constant 128 : i32
        %mul3A_347 = arith.muli %add3A_345, %mul3A_346 : i32
        %add3A_348 = arith.constant 0 : i32
        %add3A_349 = arith.addi %mul3A_347, %add3A_348 : i32
        %get3A_350 = arith.index_cast %add3A_349 : i32 to index
        %get3A_351 = tpu.vector_load %arg5[%get3A_350] {strides = array<i32>} : memref<10240xi32, #tpu.memory_space<vmem>>, vector<16xi32>,
        %get3A_352 = vector.shape_cast %get3A_351 : vector<16xi32> to vector<16xi32>
        %and3A_353 = arith.constant 65535 : i32
        %and3A_354 = vector.broadcast %and3A_353 : i32 to vector<16xi32>
        %and3A_355 = arith.andi %get3A_352, %and3A_354 : vector<16xi32>
        %swap3A_356 = arith.constant 0 : index
        %swap3A_357 = tpu.vector_load %arg6[%swap3A_356] {strides = array<i32>} : memref<128xi32, #tpu.memory_space<vmem>>, vector<16xi32>,
        %swap3A_358 = vector.shape_cast %swap3A_357 : vector<16xi32> to vector<16xi32>
        %swap3A_359 = vector.shape_cast %and3A_355 : vector<16xi32> to vector<16xi32>
        tpu.vector_store %arg6[%swap3A_356], %swap3A_359 {strides = array<i32>} : memref<128xi32, #tpu.memory_space<vmem>>, vector<16xi32>,
        %shift_right_logical3A_360 = arith.constant 16 : i32
        %shift_right_logical3A_361 = vector.broadcast %shift_right_logical3A_360 : i32 to vector<16xi32>
        %shift_right_logical3A_362 = arith.shrui %get3A_352, %shift_right_logical3A_361 : vector<16xi32>
        %swap3A_363 = arith.constant 0 : index
        %swap3A_364 = tpu.vector_load %arg8[%swap3A_363] {strides = array<i32>} : memref<128xi32, #tpu.memory_space<vmem>>, vector<16xi32>,
        %swap3A_365 = vector.shape_cast %swap3A_364 : vector<16xi32> to vector<16xi32>
        %swap3A_366 = vector.shape_cast %shift_right_logical3A_362 : vector<16xi32> to vector<16xi32>
        tpu.vector_store %arg8[%swap3A_363], %swap3A_366 {strides = array<i32>} : memref<128xi32, #tpu.memory_space<vmem>>, vector<16xi32>,
        %mul3A_367 = arith.constant 128 : i32
        %mul3A_368 = arith.muli %add3A_345, %mul3A_367 : i32
        %add3A_369 = arith.constant 16 : i32
        %add3A_370 = arith.addi %mul3A_368, %add3A_369 : i32
        %get3A_371 = arith.index_cast %add3A_370 : i32 to index
        %get3A_372 = tpu.vector_load %arg5[%get3A_371] {strides = array<i32>} : memref<10240xi32, #tpu.memory_space<vmem>>, vector<16xi32>,
        %get3A_373 = vector.shape_cast %get3A_372 : vector<16xi32> to vector<16xi32>
        %and3A_374 = arith.constant 65535 : i32
        %and3A_375 = vector.broadcast %and3A_374 : i32 to vector<16xi32>
        %and3A_376 = arith.andi %get3A_373, %and3A_375 : vector<16xi32>
        %swap3A_377 = arith.constant 16 : index
        %swap3A_378 = tpu.vector_load %arg6[%swap3A_377] {strides = array<i32>} : memref<128xi32, #tpu.memory_space<vmem>>, vector<16xi32>,
        %swap3A_379 = vector.shape_cast %swap3A_378 : vector<16xi32> to vector<16xi32>
        %swap3A_380 = vector.shape_cast %and3A_376 : vector<16xi32> to vector<16xi32>
        tpu.vector_store %arg6[%swap3A_377], %swap3A_380 {strides = array<i32>} : memref<128xi32, #tpu.memory_space<vmem>>, vector<16xi32>,
        %shift_right_logical3A_381 = arith.constant 16 : i32
        %shift_right_logical3A_382 = vector.broadcast %shift_right_logical3A_381 : i32 to vector<16xi32>
        %shift_right_logical3A_383 = arith.shrui %get3A_373, %shift_right_logical3A_382 : vector<16xi32>
        %swap3A_384 = arith.constant 16 : index
        %swap3A_385 = tpu.vector_load %arg8[%swap3A_384] {strides = array<i32>} : memref<128xi32, #tpu.memory_space<vmem>>, vector<16xi32>,
        %swap3A_386 = vector.shape_cast %swap3A_385 : vector<16xi32> to vector<16xi32>
        %swap3A_387 = vector.shape_cast %shift_right_logical3A_383 : vector<16xi32> to vector<16xi32>
        tpu.vector_store %arg8[%swap3A_384], %swap3A_387 {strides = array<i32>} : memref<128xi32, #tpu.memory_space<vmem>>, vector<16xi32>,
        %mul3A_388 = arith.constant 128 : i32
        %mul3A_389 = arith.muli %add3A_345, %mul3A_388 : i32
        %add3A_390 = arith.constant 32 : i32
        %add3A_391 = arith.addi %mul3A_389, %add3A_390 : i32
        %get3A_392 = arith.index_cast %add3A_391 : i32 to index
        %get3A_393 = tpu.vector_load %arg5[%get3A_392] {strides = array<i32>} : memref<10240xi32, #tpu.memory_space<vmem>>, vector<16xi32>,
        %get3A_394 = vector.shape_cast %get3A_393 : vector<16xi32> to vector<16xi32>
        %and3A_395 = arith.constant 65535 : i32
        %and3A_396 = vector.broadcast %and3A_395 : i32 to vector<16xi32>
        %and3A_397 = arith.andi %get3A_394, %and3A_396 : vector<16xi32>
        %swap3A_398 = arith.constant 32 : index
        %swap3A_399 = tpu.vector_load %arg6[%swap3A_398] {strides = array<i32>} : memref<128xi32, #tpu.memory_space<vmem>>, vector<16xi32>,
        %swap3A_400 = vector.shape_cast %swap3A_399 : vector<16xi32> to vector<16xi32>
        %swap3A_401 = vector.shape_cast %and3A_397 : vector<16xi32> to vector<16xi32>
        tpu.vector_store %arg6[%swap3A_398], %swap3A_401 {strides = array<i32>} : memref<128xi32, #tpu.memory_space<vmem>>, vector<16xi32>,
        %shift_right_logical3A_402 = arith.constant 16 : i32
        %shift_right_logical3A_403 = vector.broadcast %shift_right_logical3A_402 : i32 to vector<16xi32>
        %shift_right_logical3A_404 = arith.shrui %get3A_394, %shift_right_logical3A_403 : vector<16xi32>
        %swap3A_405 = arith.constant 32 : index
        %swap3A_406 = tpu.vector_load %arg8[%swap3A_405] {strides = array<i32>} : memref<128xi32, #tpu.memory_space<vmem>>, vector<16xi32>,
        %swap3A_407 = vector.shape_cast %swap3A_406 : vector<16xi32> to vector<16xi32>
        %swap3A_408 = vector.shape_cast %shift_right_logical3A_404 : vector<16xi32> to vector<16xi32>
        tpu.vector_store %arg8[%swap3A_405], %swap3A_408 {strides = array<i32>} : memref<128xi32, #tpu.memory_space<vmem>>, vector<16xi32>,
        %mul3A_409 = arith.constant 128 : i32
        %mul3A_410 = arith.muli %add3A_345, %mul3A_409 : i32
        %add3A_411 = arith.constant 48 : i32
        %add3A_412 = arith.addi %mul3A_410, %add3A_411 : i32
        %get3A_413 = arith.index_cast %add3A_412 : i32 to index
        %get3A_414 = tpu.vector_load %arg5[%get3A_413] {strides = array<i32>} : memref<10240xi32, #tpu.memory_space<vmem>>, vector<16xi32>,
        %get3A_415 = vector.shape_cast %get3A_414 : vector<16xi32> to vector<16xi32>
        %and3A_416 = arith.constant 65535 : i32
        %and3A_417 = vector.broadcast %and3A_416 : i32 to vector<16xi32>
        %and3A_418 = arith.andi %get3A_415, %and3A_417 : vector<16xi32>
        %swap3A_419 = arith.constant 48 : index
        %swap3A_420 = tpu.vector_load %arg6[%swap3A_419] {strides = array<i32>} : memref<128xi32, #tpu.memory_space<vmem>>, vector<16xi32>,
        %swap3A_421 = vector.shape_cast %swap3A_420 : vector<16xi32> to vector<16xi32>
        %swap3A_422 = vector.shape_cast %and3A_418 : vector<16xi32> to vector<16xi32>
        tpu.vector_store %arg6[%swap3A_419], %swap3A_422 {strides = array<i32>} : memref<128xi32, #tpu.memory_space<vmem>>, vector<16xi32>,
        %shift_right_logical3A_423 = arith.constant 16 : i32
        %shift_right_logical3A_424 = vector.broadcast %shift_right_logical3A_423 : i32 to vector<16xi32>
        %shift_right_logical3A_425 = arith.shrui %get3A_415, %shift_right_logical3A_424 : vector<16xi32>
        %swap3A_426 = arith.constant 48 : index
        %swap3A_427 = tpu.vector_load %arg8[%swap3A_426] {strides = array<i32>} : memref<128xi32, #tpu.memory_space<vmem>>, vector<16xi32>,
        %swap3A_428 = vector.shape_cast %swap3A_427 : vector<16xi32> to vector<16xi32>
        %swap3A_429 = vector.shape_cast %shift_right_logical3A_425 : vector<16xi32> to vector<16xi32>
        tpu.vector_store %arg8[%swap3A_426], %swap3A_429 {strides = array<i32>} : memref<128xi32, #tpu.memory_space<vmem>>, vector<16xi32>,
        %mul3A_430 = arith.constant 128 : i32
        %mul3A_431 = arith.muli %add3A_345, %mul3A_430 : i32
        %add3A_432 = arith.constant 64 : i32
        %add3A_433 = arith.addi %mul3A_431, %add3A_432 : i32
        %get3A_434 = arith.index_cast %add3A_433 : i32 to index
        %get3A_435 = tpu.vector_load %arg5[%get3A_434] {strides = array<i32>} : memref<10240xi32, #tpu.memory_space<vmem>>, vector<16xi32>,
        %get3A_436 = vector.shape_cast %get3A_435 : vector<16xi32> to vector<16xi32>
        %and3A_437 = arith.constant 65535 : i32
        %and3A_438 = vector.broadcast %and3A_437 : i32 to vector<16xi32>
        %and3A_439 = arith.andi %get3A_436, %and3A_438 : vector<16xi32>
        %swap3A_440 = arith.constant 64 : index
        %swap3A_441 = tpu.vector_load %arg6[%swap3A_440] {strides = array<i32>} : memref<128xi32, #tpu.memory_space<vmem>>, vector<16xi32>,
        %swap3A_442 = vector.shape_cast %swap3A_441 : vector<16xi32> to vector<16xi32>
        %swap3A_443 = vector.shape_cast %and3A_439 : vector<16xi32> to vector<16xi32>
        tpu.vector_store %arg6[%swap3A_440], %swap3A_443 {strides = array<i32>} : memref<128xi32, #tpu.memory_space<vmem>>, vector<16xi32>,
        %shift_right_logical3A_444 = arith.constant 16 : i32
        %shift_right_logical3A_445 = vector.broadcast %shift_right_logical3A_444 : i32 to vector<16xi32>
        %shift_right_logical3A_446 = arith.shrui %get3A_436, %shift_right_logical3A_445 : vector<16xi32>
        %swap3A_447 = arith.constant 64 : index
        %swap3A_448 = tpu.vector_load %arg8[%swap3A_447] {strides = array<i32>} : memref<128xi32, #tpu.memory_space<vmem>>, vector<16xi32>,
        %swap3A_449 = vector.shape_cast %swap3A_448 : vector<16xi32> to vector<16xi32>
        %swap3A_450 = vector.shape_cast %shift_right_logical3A_446 : vector<16xi32> to vector<16xi32>
        tpu.vector_store %arg8[%swap3A_447], %swap3A_450 {strides = array<i32>} : memref<128xi32, #tpu.memory_space<vmem>>, vector<16xi32>,
        %mul3A_451 = arith.constant 128 : i32
        %mul3A_452 = arith.muli %add3A_345, %mul3A_451 : i32
        %add3A_453 = arith.constant 80 : i32
        %add3A_454 = arith.addi %mul3A_452, %add3A_453 : i32
        %get3A_455 = arith.index_cast %add3A_454 : i32 to index
        %get3A_456 = tpu.vector_load %arg5[%get3A_455] {strides = array<i32>} : memref<10240xi32, #tpu.memory_space<vmem>>, vector<16xi32>,
        %get3A_457 = vector.shape_cast %get3A_456 : vector<16xi32> to vector<16xi32>
        %and3A_458 = arith.constant 65535 : i32
        %and3A_459 = vector.broadcast %and3A_458 : i32 to vector<16xi32>
        %and3A_460 = arith.andi %get3A_457, %and3A_459 : vector<16xi32>
        %swap3A_461 = arith.constant 80 : index
        %swap3A_462 = tpu.vector_load %arg6[%swap3A_461] {strides = array<i32>} : memref<128xi32, #tpu.memory_space<vmem>>, vector<16xi32>,
        %swap3A_463 = vector.shape_cast %swap3A_462 : vector<16xi32> to vector<16xi32>
        %swap3A_464 = vector.shape_cast %and3A_460 : vector<16xi32> to vector<16xi32>
        tpu.vector_store %arg6[%swap3A_461], %swap3A_464 {strides = array<i32>} : memref<128xi32, #tpu.memory_space<vmem>>, vector<16xi32>,
        %shift_right_logical3A_465 = arith.constant 16 : i32
        %shift_right_logical3A_466 = vector.broadcast %shift_right_logical3A_465 : i32 to vector<16xi32>
        %shift_right_logical3A_467 = arith.shrui %get3A_457, %shift_right_logical3A_466 : vector<16xi32>
        %swap3A_468 = arith.constant 80 : index
        %swap3A_469 = tpu.vector_load %arg8[%swap3A_468] {strides = array<i32>} : memref<128xi32, #tpu.memory_space<vmem>>, vector<16xi32>,
        %swap3A_470 = vector.shape_cast %swap3A_469 : vector<16xi32> to vector<16xi32>
        %swap3A_471 = vector.shape_cast %shift_right_logical3A_467 : vector<16xi32> to vector<16xi32>
        tpu.vector_store %arg8[%swap3A_468], %swap3A_471 {strides = array<i32>} : memref<128xi32, #tpu.memory_space<vmem>>, vector<16xi32>,
        %mul3A_472 = arith.constant 128 : i32
        %mul3A_473 = arith.muli %add3A_345, %mul3A_472 : i32
        %add3A_474 = arith.constant 96 : i32
        %add3A_475 = arith.addi %mul3A_473, %add3A_474 : i32
        %get3A_476 = arith.index_cast %add3A_475 : i32 to index
        %get3A_477 = tpu.vector_load %arg5[%get3A_476] {strides = array<i32>} : memref<10240xi32, #tpu.memory_space<vmem>>, vector<16xi32>,
        %get3A_478 = vector.shape_cast %get3A_477 : vector<16xi32> to vector<16xi32>
        %and3A_479 = arith.constant 65535 : i32
        %and3A_480 = vector.broadcast %and3A_479 : i32 to vector<16xi32>
        %and3A_481 = arith.andi %get3A_478, %and3A_480 : vector<16xi32>
        %swap3A_482 = arith.constant 96 : index
        %swap3A_483 = tpu.vector_load %arg6[%swap3A_482] {strides = array<i32>} : memref<128xi32, #tpu.memory_space<vmem>>, vector<16xi32>,
        %swap3A_484 = vector.shape_cast %swap3A_483 : vector<16xi32> to vector<16xi32>
        %swap3A_485 = vector.shape_cast %and3A_481 : vector<16xi32> to vector<16xi32>
        tpu.vector_store %arg6[%swap3A_482], %swap3A_485 {strides = array<i32>} : memref<128xi32, #tpu.memory_space<vmem>>, vector<16xi32>,
        %shift_right_logical3A_486 = arith.constant 16 : i32
        %shift_right_logical3A_487 = vector.broadcast %shift_right_logical3A_486 : i32 to vector<16xi32>
        %shift_right_logical3A_488 = arith.shrui %get3A_478, %shift_right_logical3A_487 : vector<16xi32>
        %swap3A_489 = arith.constant 96 : index
        %swap3A_490 = tpu.vector_load %arg8[%swap3A_489] {strides = array<i32>} : memref<128xi32, #tpu.memory_space<vmem>>, vector<16xi32>,
        %swap3A_491 = vector.shape_cast %swap3A_490 : vector<16xi32> to vector<16xi32>
        %swap3A_492 = vector.shape_cast %shift_right_logical3A_488 : vector<16xi32> to vector<16xi32>
        tpu.vector_store %arg8[%swap3A_489], %swap3A_492 {strides = array<i32>} : memref<128xi32, #tpu.memory_space<vmem>>, vector<16xi32>,
        %mul3A_493 = arith.constant 128 : i32
        %mul3A_494 = arith.muli %add3A_345, %mul3A_493 : i32
        %add3A_495 = arith.constant 112 : i32
        %add3A_496 = arith.addi %mul3A_494, %add3A_495 : i32
        %get3A_497 = arith.index_cast %add3A_496 : i32 to index
        %get3A_498 = tpu.vector_load %arg5[%get3A_497] {strides = array<i32>} : memref<10240xi32, #tpu.memory_space<vmem>>, vector<16xi32>,
        %get3A_499 = vector.shape_cast %get3A_498 : vector<16xi32> to vector<16xi32>
        %and3A_500 = arith.constant 65535 : i32
        %and3A_501 = vector.broadcast %and3A_500 : i32 to vector<16xi32>
        %and3A_502 = arith.andi %get3A_499, %and3A_501 : vector<16xi32>
        %swap3A_503 = arith.constant 112 : index
        %swap3A_504 = tpu.vector_load %arg6[%swap3A_503] {strides = array<i32>} : memref<128xi32, #tpu.memory_space<vmem>>, vector<16xi32>,
        %swap3A_505 = vector.shape_cast %swap3A_504 : vector<16xi32> to vector<16xi32>
        %swap3A_506 = vector.shape_cast %and3A_502 : vector<16xi32> to vector<16xi32>
        tpu.vector_store %arg6[%swap3A_503], %swap3A_506 {strides = array<i32>} : memref<128xi32, #tpu.memory_space<vmem>>, vector<16xi32>,
        %shift_right_logical3A_507 = arith.constant 16 : i32
        %shift_right_logical3A_508 = vector.broadcast %shift_right_logical3A_507 : i32 to vector<16xi32>
        %shift_right_logical3A_509 = arith.shrui %get3A_499, %shift_right_logical3A_508 : vector<16xi32>
        %swap3A_510 = arith.constant 112 : index
        %swap3A_511 = tpu.vector_load %arg8[%swap3A_510] {strides = array<i32>} : memref<128xi32, #tpu.memory_space<vmem>>, vector<16xi32>,
        %swap3A_512 = vector.shape_cast %swap3A_511 : vector<16xi32> to vector<16xi32>
        %swap3A_513 = vector.shape_cast %shift_right_logical3A_509 : vector<16xi32> to vector<16xi32>
        tpu.vector_store %arg8[%swap3A_510], %swap3A_513 {strides = array<i32>} : memref<128xi32, #tpu.memory_space<vmem>>, vector<16xi32>,
        %dma_start3A_514 = arith.constant 0 : i32
        %dma_start3A_515 = arith.constant 0 : i32
        %dma_start3A_516 = tpu.memref_slice %arg2[%dma_start3A_514, %dma_start3A_515] : memref<10000x128xf32, #tpu.memory_space<hbm>> -> memref<10000x128xf32, #tpu.memory_space<hbm>>
        tpu.enqueue_indirect_dma source(%dma_start3A_516 : memref<10000x128xf32, #tpu.memory_space<hbm>>) target(%arg10 : memref<128x128xf32, #tpu.memory_space<vmem>>) offsets(%arg6 : memref<128xi32, #tpu.memory_space<vmem>>) semaphore(%arg13 : memref<!tpu.dma_semaphore, #tpu.memory_space<semaphore_mem>>)
      } else {
      }
      %dma_wait3A_334 = arith.constant 0 : i32
      %dma_wait3A_335 = arith.constant 0 : i32
      %dma_wait3A_336 = tpu.memref_slice %arg2[%dma_wait3A_334, %dma_wait3A_335] : memref<10000x128xf32, #tpu.memory_space<hbm>> -> memref<10000x128xf32, #tpu.memory_space<hbm>>
      tpu.wait_indirect_dma semaphore(%arg14 : memref<!tpu.dma_semaphore, #tpu.memory_space<semaphore_mem>>) src(%dma_wait3A_336 : memref<10000x128xf32, #tpu.memory_space<hbm>>) dst(%arg11 : memref<128x128xf32, #tpu.memory_space<vmem>>)
      "tpu.region"() ({
        %run_scoped3A = tpu.sem_alloc : memref<!tpu.dma_semaphore, #tpu.memory_space<semaphore_mem>>
        %dma_start3A_344 = arith.constant 0 : i32
        %dma_start3A_345 = arith.constant 0 : i32
        %dma_start3A_346 = tpu.memref_slice %arg12[%dma_start3A_344, %dma_start3A_345] : memref<10240x128xf32, #tpu.memory_space<vmem_shared>> -> memref<10240x128xf32, #tpu.memory_space<vmem_shared>>
        tpu.enqueue_indirect_dma source(%arg11 : memref<128x128xf32, #tpu.memory_space<vmem>>) target(%dma_start3A_346 : memref<10240x128xf32, #tpu.memory_space<vmem_shared>>) offsets(%arg9 : memref<128xi32, #tpu.memory_space<vmem>>) semaphore(%run_scoped3A : memref<!tpu.dma_semaphore, #tpu.memory_space<semaphore_mem>>) {add = true}
        %dma_wait3A_347 = arith.constant 0 : i32
        %dma_wait3A_348 = arith.constant 0 : i32
        %dma_wait3A_349 = tpu.memref_slice %arg12[%dma_wait3A_347, %dma_wait3A_348] : memref<10240x128xf32, #tpu.memory_space<vmem_shared>> -> memref<10240x128xf32, #tpu.memory_space<vmem_shared>>
        tpu.wait_indirect_dma semaphore(%run_scoped3A : memref<!tpu.dma_semaphore, #tpu.memory_space<semaphore_mem>>) src(%arg11 : memref<128x128xf32, #tpu.memory_space<vmem>>) dst(%dma_wait3A_349 : memref<10240x128xf32, #tpu.memory_space<vmem_shared>>)
        tpu.yield
      }) : () -> ()
      %add3A_337 = arith.constant 3 : i32
      %add3A_338 = arith.addi %mul3A_324, %add3A_337 : i32
      %lt3A_339 = arith.constant 80 : i32
      %lt3A_340 = arith.cmpi slt, %add3A_338, %lt3A_339 : i32
      %convert_element_type3A_341 = arith.extui %lt3A_340 : i1 to i32
      %cond3A_342 = arith.constant 0 : i32
      %cond3A_343 = arith.cmpi ne, %convert_element_type3A_341, %cond3A_342 : i32
      scf.if %cond3A_343 {
        %add3A_344 = arith.constant 3 : i32
        %add3A_345 = arith.addi %mul3A_324, %add3A_344 : i32
        %mul3A_346 = arith.constant 128 : i32
        %mul3A_347 = arith.muli %add3A_345, %mul3A_346 : i32
        %add3A_348 = arith.constant 0 : i32
        %add3A_349 = arith.addi %mul3A_347, %add3A_348 : i32
        %get3A_350 = arith.index_cast %add3A_349 : i32 to index
        %get3A_351 = tpu.vector_load %arg5[%get3A_350] {strides = array<i32>} : memref<10240xi32, #tpu.memory_space<vmem>>, vector<16xi32>,
        %get3A_352 = vector.shape_cast %get3A_351 : vector<16xi32> to vector<16xi32>
        %and3A_353 = arith.constant 65535 : i32
        %and3A_354 = vector.broadcast %and3A_353 : i32 to vector<16xi32>
        %and3A_355 = arith.andi %get3A_352, %and3A_354 : vector<16xi32>
        %swap3A_356 = arith.constant 0 : index
        %swap3A_357 = tpu.vector_load %arg7[%swap3A_356] {strides = array<i32>} : memref<128xi32, #tpu.memory_space<vmem>>, vector<16xi32>,
        %swap3A_358 = vector.shape_cast %swap3A_357 : vector<16xi32> to vector<16xi32>
        %swap3A_359 = vector.shape_cast %and3A_355 : vector<16xi32> to vector<16xi32>
        tpu.vector_store %arg7[%swap3A_356], %swap3A_359 {strides = array<i32>} : memref<128xi32, #tpu.memory_space<vmem>>, vector<16xi32>,
        %shift_right_logical3A_360 = arith.constant 16 : i32
        %shift_right_logical3A_361 = vector.broadcast %shift_right_logical3A_360 : i32 to vector<16xi32>
        %shift_right_logical3A_362 = arith.shrui %get3A_352, %shift_right_logical3A_361 : vector<16xi32>
        %swap3A_363 = arith.constant 0 : index
        %swap3A_364 = tpu.vector_load %arg9[%swap3A_363] {strides = array<i32>} : memref<128xi32, #tpu.memory_space<vmem>>, vector<16xi32>,
        %swap3A_365 = vector.shape_cast %swap3A_364 : vector<16xi32> to vector<16xi32>
        %swap3A_366 = vector.shape_cast %shift_right_logical3A_362 : vector<16xi32> to vector<16xi32>
        tpu.vector_store %arg9[%swap3A_363], %swap3A_366 {strides = array<i32>} : memref<128xi32, #tpu.memory_space<vmem>>, vector<16xi32>,
        %mul3A_367 = arith.constant 128 : i32
        %mul3A_368 = arith.muli %add3A_345, %mul3A_367 : i32
        %add3A_369 = arith.constant 16 : i32
        %add3A_370 = arith.addi %mul3A_368, %add3A_369 : i32
        %get3A_371 = arith.index_cast %add3A_370 : i32 to index
        %get3A_372 = tpu.vector_load %arg5[%get3A_371] {strides = array<i32>} : memref<10240xi32, #tpu.memory_space<vmem>>, vector<16xi32>,
        %get3A_373 = vector.shape_cast %get3A_372 : vector<16xi32> to vector<16xi32>
        %and3A_374 = arith.constant 65535 : i32
        %and3A_375 = vector.broadcast %and3A_374 : i32 to vector<16xi32>
        %and3A_376 = arith.andi %get3A_373, %and3A_375 : vector<16xi32>
        %swap3A_377 = arith.constant 16 : index
        %swap3A_378 = tpu.vector_load %arg7[%swap3A_377] {strides = array<i32>} : memref<128xi32, #tpu.memory_space<vmem>>, vector<16xi32>,
        %swap3A_379 = vector.shape_cast %swap3A_378 : vector<16xi32> to vector<16xi32>
        %swap3A_380 = vector.shape_cast %and3A_376 : vector<16xi32> to vector<16xi32>
        tpu.vector_store %arg7[%swap3A_377], %swap3A_380 {strides = array<i32>} : memref<128xi32, #tpu.memory_space<vmem>>, vector<16xi32>,
        %shift_right_logical3A_381 = arith.constant 16 : i32
        %shift_right_logical3A_382 = vector.broadcast %shift_right_logical3A_381 : i32 to vector<16xi32>
        %shift_right_logical3A_383 = arith.shrui %get3A_373, %shift_right_logical3A_382 : vector<16xi32>
        %swap3A_384 = arith.constant 16 : index
        %swap3A_385 = tpu.vector_load %arg9[%swap3A_384] {strides = array<i32>} : memref<128xi32, #tpu.memory_space<vmem>>, vector<16xi32>,
        %swap3A_386 = vector.shape_cast %swap3A_385 : vector<16xi32> to vector<16xi32>
        %swap3A_387 = vector.shape_cast %shift_right_logical3A_383 : vector<16xi32> to vector<16xi32>
        tpu.vector_store %arg9[%swap3A_384], %swap3A_387 {strides = array<i32>} : memref<128xi32, #tpu.memory_space<vmem>>, vector<16xi32>,
        %mul3A_388 = arith.constant 128 : i32
        %mul3A_389 = arith.muli %add3A_345, %mul3A_388 : i32
        %add3A_390 = arith.constant 32 : i32
        %add3A_391 = arith.addi %mul3A_389, %add3A_390 : i32
        %get3A_392 = arith.index_cast %add3A_391 : i32 to index
        %get3A_393 = tpu.vector_load %arg5[%get3A_392] {strides = array<i32>} : memref<10240xi32, #tpu.memory_space<vmem>>, vector<16xi32>,
        %get3A_394 = vector.shape_cast %get3A_393 : vector<16xi32> to vector<16xi32>
        %and3A_395 = arith.constant 65535 : i32
        %and3A_396 = vector.broadcast %and3A_395 : i32 to vector<16xi32>
        %and3A_397 = arith.andi %get3A_394, %and3A_396 : vector<16xi32>
        %swap3A_398 = arith.constant 32 : index
        %swap3A_399 = tpu.vector_load %arg7[%swap3A_398] {strides = array<i32>} : memref<128xi32, #tpu.memory_space<vmem>>, vector<16xi32>,
        %swap3A_400 = vector.shape_cast %swap3A_399 : vector<16xi32> to vector<16xi32>
        %swap3A_401 = vector.shape_cast %and3A_397 : vector<16xi32> to vector<16xi32>
        tpu.vector_store %arg7[%swap3A_398], %swap3A_401 {strides = array<i32>} : memref<128xi32, #tpu.memory_space<vmem>>, vector<16xi32>,
        %shift_right_logical3A_402 = arith.constant 16 : i32
        %shift_right_logical3A_403 = vector.broadcast %shift_right_logical3A_402 : i32 to vector<16xi32>
        %shift_right_logical3A_404 = arith.shrui %get3A_394, %shift_right_logical3A_403 : vector<16xi32>
        %swap3A_405 = arith.constant 32 : index
        %swap3A_406 = tpu.vector_load %arg9[%swap3A_405] {strides = array<i32>} : memref<128xi32, #tpu.memory_space<vmem>>, vector<16xi32>,
        %swap3A_407 = vector.shape_cast %swap3A_406 : vector<16xi32> to vector<16xi32>
        %swap3A_408 = vector.shape_cast %shift_right_logical3A_404 : vector<16xi32> to vector<16xi32>
        tpu.vector_store %arg9[%swap3A_405], %swap3A_408 {strides = array<i32>} : memref<128xi32, #tpu.memory_space<vmem>>, vector<16xi32>,
        %mul3A_409 = arith.constant 128 : i32
        %mul3A_410 = arith.muli %add3A_345, %mul3A_409 : i32
        %add3A_411 = arith.constant 48 : i32
        %add3A_412 = arith.addi %mul3A_410, %add3A_411 : i32
        %get3A_413 = arith.index_cast %add3A_412 : i32 to index
        %get3A_414 = tpu.vector_load %arg5[%get3A_413] {strides = array<i32>} : memref<10240xi32, #tpu.memory_space<vmem>>, vector<16xi32>,
        %get3A_415 = vector.shape_cast %get3A_414 : vector<16xi32> to vector<16xi32>
        %and3A_416 = arith.constant 65535 : i32
        %and3A_417 = vector.broadcast %and3A_416 : i32 to vector<16xi32>
        %and3A_418 = arith.andi %get3A_415, %and3A_417 : vector<16xi32>
        %swap3A_419 = arith.constant 48 : index
        %swap3A_420 = tpu.vector_load %arg7[%swap3A_419] {strides = array<i32>} : memref<128xi32, #tpu.memory_space<vmem>>, vector<16xi32>,
        %swap3A_421 = vector.shape_cast %swap3A_420 : vector<16xi32> to vector<16xi32>
        %swap3A_422 = vector.shape_cast %and3A_418 : vector<16xi32> to vector<16xi32>
        tpu.vector_store %arg7[%swap3A_419], %swap3A_422 {strides = array<i32>} : memref<128xi32, #tpu.memory_space<vmem>>, vector<16xi32>,
        %shift_right_logical3A_423 = arith.constant 16 : i32
        %shift_right_logical3A_424 = vector.broadcast %shift_right_logical3A_423 : i32 to vector<16xi32>
        %shift_right_logical3A_425 = arith.shrui %get3A_415, %shift_right_logical3A_424 : vector<16xi32>
        %swap3A_426 = arith.constant 48 : index
        %swap3A_427 = tpu.vector_load %arg9[%swap3A_426] {strides = array<i32>} : memref<128xi32, #tpu.memory_space<vmem>>, vector<16xi32>,
        %swap3A_428 = vector.shape_cast %swap3A_427 : vector<16xi32> to vector<16xi32>
        %swap3A_429 = vector.shape_cast %shift_right_logical3A_425 : vector<16xi32> to vector<16xi32>
        tpu.vector_store %arg9[%swap3A_426], %swap3A_429 {strides = array<i32>} : memref<128xi32, #tpu.memory_space<vmem>>, vector<16xi32>,
        %mul3A_430 = arith.constant 128 : i32
        %mul3A_431 = arith.muli %add3A_345, %mul3A_430 : i32
        %add3A_432 = arith.constant 64 : i32
        %add3A_433 = arith.addi %mul3A_431, %add3A_432 : i32
        %get3A_434 = arith.index_cast %add3A_433 : i32 to index
        %get3A_435 = tpu.vector_load %arg5[%get3A_434] {strides = array<i32>} : memref<10240xi32, #tpu.memory_space<vmem>>, vector<16xi32>,
        %get3A_436 = vector.shape_cast %get3A_435 : vector<16xi32> to vector<16xi32>
        %and3A_437 = arith.constant 65535 : i32
        %and3A_438 = vector.broadcast %and3A_437 : i32 to vector<16xi32>
        %and3A_439 = arith.andi %get3A_436, %and3A_438 : vector<16xi32>
        %swap3A_440 = arith.constant 64 : index
        %swap3A_441 = tpu.vector_load %arg7[%swap3A_440] {strides = array<i32>} : memref<128xi32, #tpu.memory_space<vmem>>, vector<16xi32>,
        %swap3A_442 = vector.shape_cast %swap3A_441 : vector<16xi32> to vector<16xi32>
        %swap3A_443 = vector.shape_cast %and3A_439 : vector<16xi32> to vector<16xi32>
        tpu.vector_store %arg7[%swap3A_440], %swap3A_443 {strides = array<i32>} : memref<128xi32, #tpu.memory_space<vmem>>, vector<16xi32>,
        %shift_right_logical3A_444 = arith.constant 16 : i32
        %shift_right_logical3A_445 = vector.broadcast %shift_right_logical3A_444 : i32 to vector<16xi32>
        %shift_right_logical3A_446 = arith.shrui %get3A_436, %shift_right_logical3A_445 : vector<16xi32>
        %swap3A_447 = arith.constant 64 : index
        %swap3A_448 = tpu.vector_load %arg9[%swap3A_447] {strides = array<i32>} : memref<128xi32, #tpu.memory_space<vmem>>, vector<16xi32>,
        %swap3A_449 = vector.shape_cast %swap3A_448 : vector<16xi32> to vector<16xi32>
        %swap3A_450 = vector.shape_cast %shift_right_logical3A_446 : vector<16xi32> to vector<16xi32>
        tpu.vector_store %arg9[%swap3A_447], %swap3A_450 {strides = array<i32>} : memref<128xi32, #tpu.memory_space<vmem>>, vector<16xi32>,
        %mul3A_451 = arith.constant 128 : i32
        %mul3A_452 = arith.muli %add3A_345, %mul3A_451 : i32
        %add3A_453 = arith.constant 80 : i32
        %add3A_454 = arith.addi %mul3A_452, %add3A_453 : i32
        %get3A_455 = arith.index_cast %add3A_454 : i32 to index
        %get3A_456 = tpu.vector_load %arg5[%get3A_455] {strides = array<i32>} : memref<10240xi32, #tpu.memory_space<vmem>>, vector<16xi32>,
        %get3A_457 = vector.shape_cast %get3A_456 : vector<16xi32> to vector<16xi32>
        %and3A_458 = arith.constant 65535 : i32
        %and3A_459 = vector.broadcast %and3A_458 : i32 to vector<16xi32>
        %and3A_460 = arith.andi %get3A_457, %and3A_459 : vector<16xi32>
        %swap3A_461 = arith.constant 80 : index
        %swap3A_462 = tpu.vector_load %arg7[%swap3A_461] {strides = array<i32>} : memref<128xi32, #tpu.memory_space<vmem>>, vector<16xi32>,
        %swap3A_463 = vector.shape_cast %swap3A_462 : vector<16xi32> to vector<16xi32>
        %swap3A_464 = vector.shape_cast %and3A_460 : vector<16xi32> to vector<16xi32>
        tpu.vector_store %arg7[%swap3A_461], %swap3A_464 {strides = array<i32>} : memref<128xi32, #tpu.memory_space<vmem>>, vector<16xi32>,
        %shift_right_logical3A_465 = arith.constant 16 : i32
        %shift_right_logical3A_466 = vector.broadcast %shift_right_logical3A_465 : i32 to vector<16xi32>
        %shift_right_logical3A_467 = arith.shrui %get3A_457, %shift_right_logical3A_466 : vector<16xi32>
        %swap3A_468 = arith.constant 80 : index
        %swap3A_469 = tpu.vector_load %arg9[%swap3A_468] {strides = array<i32>} : memref<128xi32, #tpu.memory_space<vmem>>, vector<16xi32>,
        %swap3A_470 = vector.shape_cast %swap3A_469 : vector<16xi32> to vector<16xi32>
        %swap3A_471 = vector.shape_cast %shift_right_logical3A_467 : vector<16xi32> to vector<16xi32>
        tpu.vector_store %arg9[%swap3A_468], %swap3A_471 {strides = array<i32>} : memref<128xi32, #tpu.memory_space<vmem>>, vector<16xi32>,
        %mul3A_472 = arith.constant 128 : i32
        %mul3A_473 = arith.muli %add3A_345, %mul3A_472 : i32
        %add3A_474 = arith.constant 96 : i32
        %add3A_475 = arith.addi %mul3A_473, %add3A_474 : i32
        %get3A_476 = arith.index_cast %add3A_475 : i32 to index
        %get3A_477 = tpu.vector_load %arg5[%get3A_476] {strides = array<i32>} : memref<10240xi32, #tpu.memory_space<vmem>>, vector<16xi32>,
        %get3A_478 = vector.shape_cast %get3A_477 : vector<16xi32> to vector<16xi32>
        %and3A_479 = arith.constant 65535 : i32
        %and3A_480 = vector.broadcast %and3A_479 : i32 to vector<16xi32>
        %and3A_481 = arith.andi %get3A_478, %and3A_480 : vector<16xi32>
        %swap3A_482 = arith.constant 96 : index
        %swap3A_483 = tpu.vector_load %arg7[%swap3A_482] {strides = array<i32>} : memref<128xi32, #tpu.memory_space<vmem>>, vector<16xi32>,
        %swap3A_484 = vector.shape_cast %swap3A_483 : vector<16xi32> to vector<16xi32>
        %swap3A_485 = vector.shape_cast %and3A_481 : vector<16xi32> to vector<16xi32>
        tpu.vector_store %arg7[%swap3A_482], %swap3A_485 {strides = array<i32>} : memref<128xi32, #tpu.memory_space<vmem>>, vector<16xi32>,
        %shift_right_logical3A_486 = arith.constant 16 : i32
        %shift_right_logical3A_487 = vector.broadcast %shift_right_logical3A_486 : i32 to vector<16xi32>
        %shift_right_logical3A_488 = arith.shrui %get3A_478, %shift_right_logical3A_487 : vector<16xi32>
        %swap3A_489 = arith.constant 96 : index
        %swap3A_490 = tpu.vector_load %arg9[%swap3A_489] {strides = array<i32>} : memref<128xi32, #tpu.memory_space<vmem>>, vector<16xi32>,
        %swap3A_491 = vector.shape_cast %swap3A_490 : vector<16xi32> to vector<16xi32>
        %swap3A_492 = vector.shape_cast %shift_right_logical3A_488 : vector<16xi32> to vector<16xi32>
        tpu.vector_store %arg9[%swap3A_489], %swap3A_492 {strides = array<i32>} : memref<128xi32, #tpu.memory_space<vmem>>, vector<16xi32>,
        %mul3A_493 = arith.constant 128 : i32
        %mul3A_494 = arith.muli %add3A_345, %mul3A_493 : i32
        %add3A_495 = arith.constant 112 : i32
        %add3A_496 = arith.addi %mul3A_494, %add3A_495 : i32
        %get3A_497 = arith.index_cast %add3A_496 : i32 to index
        %get3A_498 = tpu.vector_load %arg5[%get3A_497] {strides = array<i32>} : memref<10240xi32, #tpu.memory_space<vmem>>, vector<16xi32>,
        %get3A_499 = vector.shape_cast %get3A_498 : vector<16xi32> to vector<16xi32>
        %and3A_500 = arith.constant 65535 : i32
        %and3A_501 = vector.broadcast %and3A_500 : i32 to vector<16xi32>
        %and3A_502 = arith.andi %get3A_499, %and3A_501 : vector<16xi32>
        %swap3A_503 = arith.constant 112 : index
        %swap3A_504 = tpu.vector_load %arg7[%swap3A_503] {strides = array<i32>} : memref<128xi32, #tpu.memory_space<vmem>>, vector<16xi32>,
        %swap3A_505 = vector.shape_cast %swap3A_504 : vector<16xi32> to vector<16xi32>
        %swap3A_506 = vector.shape_cast %and3A_502 : vector<16xi32> to vector<16xi32>
        tpu.vector_store %arg7[%swap3A_503], %swap3A_506 {strides = array<i32>} : memref<128xi32, #tpu.memory_space<vmem>>, vector<16xi32>,
        %shift_right_logical3A_507 = arith.constant 16 : i32
        %shift_right_logical3A_508 = vector.broadcast %shift_right_logical3A_507 : i32 to vector<16xi32>
        %shift_right_logical3A_509 = arith.shrui %get3A_499, %shift_right_logical3A_508 : vector<16xi32>
        %swap3A_510 = arith.constant 112 : index
        %swap3A_511 = tpu.vector_load %arg9[%swap3A_510] {strides = array<i32>} : memref<128xi32, #tpu.memory_space<vmem>>, vector<16xi32>,
        %swap3A_512 = vector.shape_cast %swap3A_511 : vector<16xi32> to vector<16xi32>
        %swap3A_513 = vector.shape_cast %shift_right_logical3A_509 : vector<16xi32> to vector<16xi32>
        tpu.vector_store %arg9[%swap3A_510], %swap3A_513 {strides = array<i32>} : memref<128xi32, #tpu.memory_space<vmem>>, vector<16xi32>,
      } else {
      }
    }
    %scan3A_297 = arith.constant 40 : i32
    %barrier3A_298 = arith.constant 0 : index
    tpu.barrier barrier_id(%barrier3A_298)
    %mul3A_299 = arith.constant 10240 : i32
    %mul3A_300 = arith.muli %arg0, %mul3A_299 : i32
    %add3A_301 = arith.addi %mul3A_300, %mul3A_7 : i32
    %add3A_302 = arith.constant 0 : i32
    %add3A_303 = arith.addi %mul3A_7, %add3A_302 : i32
    %add3A_304 = arith.constant 0 : i32
    %add3A_305 = arith.addi %add3A_301, %add3A_304 : i32
    "tpu.region"() ({
      %run_scoped3A = tpu.sem_alloc : memref<!tpu.dma_semaphore, #tpu.memory_space<semaphore_mem>>
      %dma_start3A_322 = arith.constant 0 : i32
      %dma_start3A_323 = tpu.memref_slice %arg4[%add3A_305, %dma_start3A_322] : memref<20480x128xf32, #tpu.memory_space<hbm>> -> memref<128x128xf32, #tpu.memory_space<hbm>>
      %dma_start3A_324 = arith.constant 0 : i32
      %dma_start3A_325 = tpu.memref_slice %arg12[%add3A_303, %dma_start3A_324] : memref<10240x128xf32, #tpu.memory_space<vmem_shared>> -> memref<128x128xf32, #tpu.memory_space<vmem_shared>>
      tpu.enqueue_dma source(%dma_start3A_325 : memref<128x128xf32, #tpu.memory_space<vmem_shared>>) target(%dma_start3A_323 : memref<128x128xf32, #tpu.memory_space<hbm>>) target_semaphore(%run_scoped3A : memref<!tpu.dma_semaphore, #tpu.memory_space<semaphore_mem>>)
      %dma_wait3A = arith.constant 0 : i32
      %dma_wait3A_326 = tpu.memref_slice %arg4[%add3A_305, %dma_wait3A] : memref<20480x128xf32, #tpu.memory_space<hbm>> -> memref<128x128xf32, #tpu.memory_space<hbm>>
      %dma_wait3A_327 = arith.constant 0 : i32
      %dma_wait3A_328 = tpu.memref_slice %arg12[%add3A_303, %dma_wait3A_327] : memref<10240x128xf32, #tpu.memory_space<vmem_shared>> -> memref<128x128xf32, #tpu.memory_space<vmem_shared>>
      tpu.wait_dma2 semaphore(%run_scoped3A : memref<!tpu.dma_semaphore, #tpu.memory_space<semaphore_mem>>) src(%dma_wait3A_328 : memref<128x128xf32, #tpu.memory_space<vmem_shared>>) dst(%dma_wait3A_326 : memref<128x128xf32, #tpu.memory_space<hbm>>)
      tpu.yield
    }) : () -> ()
    %add3A_306 = arith.constant 128 : i32
    %add3A_307 = arith.addi %mul3A_7, %add3A_306 : i32
    %add3A_308 = arith.constant 128 : i32
    %add3A_309 = arith.addi %add3A_301, %add3A_308 : i32
    "tpu.region"() ({
      %run_scoped3A = tpu.sem_alloc : memref<!tpu.dma_semaphore, #tpu.memory_space<semaphore_mem>>
      %dma_start3A_322 = arith.constant 0 : i32
      %dma_start3A_323 = tpu.memref_slice %arg4[%add3A_309, %dma_start3A_322] : memref<20480x128xf32, #tpu.memory_space<hbm>> -> memref<128x128xf32, #tpu.memory_space<hbm>>
      %dma_start3A_324 = arith.constant 0 : i32
      %dma_start3A_325 = tpu.memref_slice %arg12[%add3A_307, %dma_start3A_324] : memref<10240x128xf32, #tpu.memory_space<vmem_shared>> -> memref<128x128xf32, #tpu.memory_space<vmem_shared>>
      tpu.enqueue_dma source(%dma_start3A_325 : memref<128x128xf32, #tpu.memory_space<vmem_shared>>) target(%dma_start3A_323 : memref<128x128xf32, #tpu.memory_space<hbm>>) target_semaphore(%run_scoped3A : memref<!tpu.dma_semaphore, #tpu.memory_space<semaphore_mem>>)
      %dma_wait3A = arith.constant 0 : i32
      %dma_wait3A_326 = tpu.memref_slice %arg4[%add3A_309, %dma_wait3A] : memref<20480x128xf32, #tpu.memory_space<hbm>> -> memref<128x128xf32, #tpu.memory_space<hbm>>
      %dma_wait3A_327 = arith.constant 0 : i32
      %dma_wait3A_328 = tpu.memref_slice %arg12[%add3A_307, %dma_wait3A_327] : memref<10240x128xf32, #tpu.memory_space<vmem_shared>> -> memref<128x128xf32, #tpu.memory_space<vmem_shared>>
      tpu.wait_dma2 semaphore(%run_scoped3A : memref<!tpu.dma_semaphore, #tpu.memory_space<semaphore_mem>>) src(%dma_wait3A_328 : memref<128x128xf32, #tpu.memory_space<vmem_shared>>) dst(%dma_wait3A_326 : memref<128x128xf32, #tpu.memory_space<hbm>>)
      tpu.yield
    }) : () -> ()
    %add3A_310 = arith.constant 256 : i32
    %add3A_311 = arith.addi %mul3A_7, %add3A_310 : i32
    %add3A_312 = arith.constant 256 : i32
    %add3A_313 = arith.addi %add3A_301, %add3A_312 : i32
    "tpu.region"() ({
      %run_scoped3A = tpu.sem_alloc : memref<!tpu.dma_semaphore, #tpu.memory_space<semaphore_mem>>
      %dma_start3A_322 = arith.constant 0 : i32
      %dma_start3A_323 = tpu.memref_slice %arg4[%add3A_313, %dma_start3A_322] : memref<20480x128xf32, #tpu.memory_space<hbm>> -> memref<128x128xf32, #tpu.memory_space<hbm>>
      %dma_start3A_324 = arith.constant 0 : i32
      %dma_start3A_325 = tpu.memref_slice %arg12[%add3A_311, %dma_start3A_324] : memref<10240x128xf32, #tpu.memory_space<vmem_shared>> -> memref<128x128xf32, #tpu.memory_space<vmem_shared>>
      tpu.enqueue_dma source(%dma_start3A_325 : memref<128x128xf32, #tpu.memory_space<vmem_shared>>) target(%dma_start3A_323 : memref<128x128xf32, #tpu.memory_space<hbm>>) target_semaphore(%run_scoped3A : memref<!tpu.dma_semaphore, #tpu.memory_space<semaphore_mem>>)
      %dma_wait3A = arith.constant 0 : i32
      %dma_wait3A_326 = tpu.memref_slice %arg4[%add3A_313, %dma_wait3A] : memref<20480x128xf32, #tpu.memory_space<hbm>> -> memref<128x128xf32, #tpu.memory_space<hbm>>
      %dma_wait3A_327 = arith.constant 0 : i32
      %dma_wait3A_328 = tpu.memref_slice %arg12[%add3A_311, %dma_wait3A_327] : memref<10240x128xf32, #tpu.memory_space<vmem_shared>> -> memref<128x128xf32, #tpu.memory_space<vmem_shared>>
      tpu.wait_dma2 semaphore(%run_scoped3A : memref<!tpu.dma_semaphore, #tpu.memory_space<semaphore_mem>>) src(%dma_wait3A_328 : memref<128x128xf32, #tpu.memory_space<vmem_shared>>) dst(%dma_wait3A_326 : memref<128x128xf32, #tpu.memory_space<hbm>>)
      tpu.yield
    }) : () -> ()
    %add3A_314 = arith.constant 384 : i32
    %add3A_315 = arith.addi %mul3A_7, %add3A_314 : i32
    %add3A_316 = arith.constant 384 : i32
    %add3A_317 = arith.addi %add3A_301, %add3A_316 : i32
    "tpu.region"() ({
      %run_scoped3A = tpu.sem_alloc : memref<!tpu.dma_semaphore, #tpu.memory_space<semaphore_mem>>
      %dma_start3A_322 = arith.constant 0 : i32
      %dma_start3A_323 = tpu.memref_slice %arg4[%add3A_317, %dma_start3A_322] : memref<20480x128xf32, #tpu.memory_space<hbm>> -> memref<128x128xf32, #tpu.memory_space<hbm>>
      %dma_start3A_324 = arith.constant 0 : i32
      %dma_start3A_325 = tpu.memref_slice %arg12[%add3A_315, %dma_start3A_324] : memref<10240x128xf32, #tpu.memory_space<vmem_shared>> -> memref<128x128xf32, #tpu.memory_space<vmem_shared>>
      tpu.enqueue_dma source(%dma_start3A_325 : memref<128x128xf32, #tpu.memory_space<vmem_shared>>) target(%dma_start3A_323 : memref<128x128xf32, #tpu.memory_space<hbm>>) target_semaphore(%run_scoped3A : memref<!tpu.dma_semaphore, #tpu.memory_space<semaphore_mem>>)
      %dma_wait3A = arith.constant 0 : i32
      %dma_wait3A_326 = tpu.memref_slice %arg4[%add3A_317, %dma_wait3A] : memref<20480x128xf32, #tpu.memory_space<hbm>> -> memref<128x128xf32, #tpu.memory_space<hbm>>
      %dma_wait3A_327 = arith.constant 0 : i32
      %dma_wait3A_328 = tpu.memref_slice %arg12[%add3A_315, %dma_wait3A_327] : memref<10240x128xf32, #tpu.memory_space<vmem_shared>> -> memref<128x128xf32, #tpu.memory_space<vmem_shared>>
      tpu.wait_dma2 semaphore(%run_scoped3A : memref<!tpu.dma_semaphore, #tpu.memory_space<semaphore_mem>>) src(%dma_wait3A_328 : memref<128x128xf32, #tpu.memory_space<vmem_shared>>) dst(%dma_wait3A_326 : memref<128x128xf32, #tpu.memory_space<hbm>>)
      tpu.yield
    }) : () -> ()
    %add3A_318 = arith.constant 512 : i32
    %add3A_319 = arith.addi %mul3A_7, %add3A_318 : i32
    %add3A_320 = arith.constant 512 : i32
    %add3A_321 = arith.addi %add3A_301, %add3A_320 : i32
    "tpu.region"() ({
      %run_scoped3A = tpu.sem_alloc : memref<!tpu.dma_semaphore, #tpu.memory_space<semaphore_mem>>
      %dma_start3A_322 = arith.constant 0 : i32
      %dma_start3A_323 = tpu.memref_slice %arg4[%add3A_321, %dma_start3A_322] : memref<20480x128xf32, #tpu.memory_space<hbm>> -> memref<128x128xf32, #tpu.memory_space<hbm>>
      %dma_start3A_324 = arith.constant 0 : i32
      %dma_start3A_325 = tpu.memref_slice %arg12[%add3A_319, %dma_start3A_324] : memref<10240x128xf32, #tpu.memory_space<vmem_shared>> -> memref<128x128xf32, #tpu.memory_space<vmem_shared>>
      tpu.enqueue_dma source(%dma_start3A_325 : memref<128x128xf32, #tpu.memory_space<vmem_shared>>) target(%dma_start3A_323 : memref<128x128xf32, #tpu.memory_space<hbm>>) target_semaphore(%run_scoped3A : memref<!tpu.dma_semaphore, #tpu.memory_space<semaphore_mem>>)
      %dma_wait3A = arith.constant 0 : i32
      %dma_wait3A_326 = tpu.memref_slice %arg4[%add3A_321, %dma_wait3A] : memref<20480x128xf32, #tpu.memory_space<hbm>> -> memref<128x128xf32, #tpu.memory_space<hbm>>
      %dma_wait3A_327 = arith.constant 0 : i32
      %dma_wait3A_328 = tpu.memref_slice %arg12[%add3A_319, %dma_wait3A_327] : memref<10240x128xf32, #tpu.memory_space<vmem_shared>> -> memref<128x128xf32, #tpu.memory_space<vmem_shared>>
      tpu.wait_dma2 semaphore(%run_scoped3A : memref<!tpu.dma_semaphore, #tpu.memory_space<semaphore_mem>>) src(%dma_wait3A_328 : memref<128x128xf32, #tpu.memory_space<vmem_shared>>) dst(%dma_wait3A_326 : memref<128x128xf32, #tpu.memory_space<hbm>>)
      tpu.yield
    }) : () -> ()
    return
  }
}

module attributes {stable_mosaic.version = 14 : i64} {
  func.func @_mlp_body(%arg0: memref<1x1xf32, #tpu.memory_space<smem>>, %arg1: memref<10000x128xf32, #tpu.memory_space<vmem>>, %arg2: memref<20480x128xf32, #tpu.memory_space<vmem>>, %arg3: memref<128x128xf32, #tpu.memory_space<vmem>>, %arg4: memref<1x128xf32, #tpu.memory_space<vmem>>, %arg5: memref<1x128xf32, #tpu.memory_space<vmem>>, %arg6: memref<1x128xf32, #tpu.memory_space<vmem>>, %arg7: memref<128x128xf32, #tpu.memory_space<vmem>>, %arg8: memref<1x128xf32, #tpu.memory_space<vmem>>, %arg9: memref<10000x128xf32, #tpu.memory_space<vmem>>) attributes {dimension_semantics = [], scalar_prefetch = 0 : i64, scratch_operands = 0 : i64, tpu.core_type = #tpu.core_type<tc>} {
    %get3A = arith.constant 0 : index
    %get3A_0 = arith.constant 0 : index
    %get3A_1 = vector.load %arg1[%get3A, %get3A_0] : memref<10000x128xf32, #tpu.memory_space<vmem>>, vector<10000x128xf32>
    %get3A_2 = arith.constant 0 : index
    %get3A_3 = arith.constant 0 : index
    %get3A_4 = vector.load %arg2[%get3A_2, %get3A_3] : memref<20480x128xf32, #tpu.memory_space<vmem>>, vector<10000x128xf32>
    %get3A_5 = arith.constant 10240 : index
    %get3A_6 = arith.constant 0 : index
    %get3A_7 = vector.load %arg2[%get3A_5, %get3A_6] : memref<20480x128xf32, #tpu.memory_space<vmem>>, vector<10000x128xf32>
    %add3A = arith.addf %get3A_4, %get3A_7 : vector<10000x128xf32>
    %get3A_8 = arith.constant 0 : index
    %get3A_9 = arith.constant 0 : index
    %get3A_10 = memref.load %arg0[%get3A_8, %get3A_9] : memref<1x1xf32, #tpu.memory_space<smem>>
    %add3A_11 = arith.constant 1.000000e+00 : f32
    %add3A_12 = arith.addf %add3A_11, %get3A_10 : f32
    %mul3A = vector.broadcast %add3A_12 : f32 to vector<10000x128xf32>
    %mul3A_13 = arith.mulf %get3A_1, %mul3A : vector<10000x128xf32>
    %add3A_14 = arith.addf %mul3A_13, %add3A : vector<10000x128xf32>
    %get3A_15 = arith.constant 0 : index
    %get3A_16 = arith.constant 0 : index
    %get3A_17 = vector.load %arg3[%get3A_15, %get3A_16] : memref<128x128xf32, #tpu.memory_space<vmem>>, vector<128x128xf32>
    %dot_general3A = arith.constant dense<0.000000e+00> : vector<10000x128xf32>
    %dot_general3A_18 = tpu.matmul %add3A_14, %get3A_17, %dot_general3A {dimension_numbers = #tpu.dot_dimension_numbers<[1], [0], [0], [1], [0, 0, 1, 1], [], []>, transpose_lhs_hint = false} : vector<10000x128xf32>, vector<128x128xf32>, vector<10000x128xf32> -> vector<10000x128xf32>
    %get3A_19 = arith.constant 0 : index
    %get3A_20 = arith.constant 0 : index
    %get3A_21 = vector.load %arg4[%get3A_19, %get3A_20] : memref<1x128xf32, #tpu.memory_space<vmem>>, vector<1x128xf32>
    %add3A_22 = vector.broadcast %get3A_21 : vector<1x128xf32> to vector<10000x128xf32>
    %add3A_23 = arith.addf %dot_general3A_18, %add3A_22 : vector<10000x128xf32>
    %reduce_sum3A = arith.constant dense<0.000000e+00> : vector<128xf32>
    %reduce_sum3A_24 = vector.multi_reduction <add>, %add3A_23, %reduce_sum3A [0] : vector<10000x128xf32> to vector<128xf32>
    %broadcast_in_dim3A = vector.shape_cast %reduce_sum3A_24 : vector<128xf32> to vector<1x128xf32>
    %div3A = arith.constant 1.000000e+04 : f32
    %div3A_25 = vector.broadcast %div3A : f32 to vector<1x128xf32>
    %div3A_26 = arith.divf %broadcast_in_dim3A, %div3A_25 : vector<1x128xf32>
    %sub3A = vector.broadcast %div3A_26 : vector<1x128xf32> to vector<10000x128xf32>
    %sub3A_27 = arith.subf %add3A_23, %sub3A : vector<10000x128xf32>
    %sub3A_28 = vector.broadcast %div3A_26 : vector<1x128xf32> to vector<10000x128xf32>
    %sub3A_29 = arith.subf %add3A_23, %sub3A_28 : vector<10000x128xf32>
    %mul3A_30 = arith.mulf %sub3A_27, %sub3A_29 : vector<10000x128xf32>
    %reduce_sum3A_31 = arith.constant dense<0.000000e+00> : vector<128xf32>
    %reduce_sum3A_32 = vector.multi_reduction <add>, %mul3A_30, %reduce_sum3A_31 [0] : vector<10000x128xf32> to vector<128xf32>
    %broadcast_in_dim3A_33 = vector.shape_cast %reduce_sum3A_32 : vector<128xf32> to vector<1x128xf32>
    %div3A_34 = arith.constant 1.000000e+04 : f32
    %div3A_35 = vector.broadcast %div3A_34 : f32 to vector<1x128xf32>
    %div3A_36 = arith.divf %broadcast_in_dim3A_33, %div3A_35 : vector<1x128xf32>
    %sub3A_37 = vector.broadcast %div3A_26 : vector<1x128xf32> to vector<10000x128xf32>
    %sub3A_38 = arith.subf %add3A_23, %sub3A_37 : vector<10000x128xf32>
    %add3A_39 = arith.constant 9.99999974E-6 : f32
    %add3A_40 = vector.broadcast %add3A_39 : f32 to vector<1x128xf32>
    %add3A_41 = arith.addf %div3A_36, %add3A_40 : vector<1x128xf32>
    %rsqrt3A = math.rsqrt %add3A_41 : vector<1x128xf32>
    %mul3A_42 = vector.broadcast %rsqrt3A : vector<1x128xf32> to vector<10000x128xf32>
    %mul3A_43 = arith.mulf %sub3A_38, %mul3A_42 : vector<10000x128xf32>
    %get3A_44 = arith.constant 0 : index
    %get3A_45 = arith.constant 0 : index
    %get3A_46 = vector.load %arg5[%get3A_44, %get3A_45] : memref<1x128xf32, #tpu.memory_space<vmem>>, vector<1x128xf32>
    %mul3A_47 = vector.broadcast %get3A_46 : vector<1x128xf32> to vector<10000x128xf32>
    %mul3A_48 = arith.mulf %mul3A_43, %mul3A_47 : vector<10000x128xf32>
    %get3A_49 = arith.constant 0 : index
    %get3A_50 = arith.constant 0 : index
    %get3A_51 = vector.load %arg6[%get3A_49, %get3A_50] : memref<1x128xf32, #tpu.memory_space<vmem>>, vector<1x128xf32>
    %add3A_52 = vector.broadcast %get3A_51 : vector<1x128xf32> to vector<10000x128xf32>
    %add3A_53 = arith.addf %mul3A_48, %add3A_52 : vector<10000x128xf32>
    %max3A = arith.constant 0.000000e+00 : f32
    %max3A_54 = vector.broadcast %max3A : f32 to vector<10000x128xf32>
    %max3A_55 = arith.maximumf %add3A_53, %max3A_54 : vector<10000x128xf32>
    %get3A_56 = arith.constant 0 : index
    %get3A_57 = arith.constant 0 : index
    %get3A_58 = vector.load %arg7[%get3A_56, %get3A_57] : memref<128x128xf32, #tpu.memory_space<vmem>>, vector<128x128xf32>
    %dot_general3A_59 = arith.constant dense<0.000000e+00> : vector<10000x128xf32>
    %dot_general3A_60 = tpu.matmul %max3A_55, %get3A_58, %dot_general3A_59 {dimension_numbers = #tpu.dot_dimension_numbers<[1], [0], [0], [1], [0, 0, 1, 1], [], []>, transpose_lhs_hint = false} : vector<10000x128xf32>, vector<128x128xf32>, vector<10000x128xf32> -> vector<10000x128xf32>
    %get3A_61 = arith.constant 0 : index
    %get3A_62 = arith.constant 0 : index
    %get3A_63 = vector.load %arg8[%get3A_61, %get3A_62] : memref<1x128xf32, #tpu.memory_space<vmem>>, vector<1x128xf32>
    %add3A_64 = vector.broadcast %get3A_63 : vector<1x128xf32> to vector<10000x128xf32>
    %add3A_65 = arith.addf %dot_general3A_60, %add3A_64 : vector<10000x128xf32>
    %max3A_66 = arith.constant 0.000000e+00 : f32
    %max3A_67 = vector.broadcast %max3A_66 : f32 to vector<10000x128xf32>
    %max3A_68 = arith.maximumf %add3A_65, %max3A_67 : vector<10000x128xf32>
    %add3A_69 = arith.addf %get3A_1, %max3A_68 : vector<10000x128xf32>
    %swap3A = arith.constant 0 : index
    %swap3A_70 = arith.constant 0 : index
    %swap3A_71 = vector.load %arg9[%swap3A, %swap3A_70] : memref<10000x128xf32, #tpu.memory_space<vmem>>, vector<10000x128xf32>
    tpu.vector_store %arg9[%swap3A, %swap3A_70], %add3A_69 {strides = array<i32>} : memref<10000x128xf32, #tpu.memory_space<vmem>>, vector<10000x128xf32>,
    return
  }
}

</mosaic_0001>

<sc_bundles>
// kernel: kernel.4.cloned.1.call-start
scs
__scs_entry_jumppad:
0x0: {  	(pc) =	sbr.rel $0x88, $3  }
0x1: {  	(tag) =	ssettag $0x0;
	lr =	simm.s32 $0x1  }
0x2: {  	[smem:$0x3F98] =	sst lr;
	_ =	strace $0xD0000000  }
0x3: {  	_ = 	snop  }
0x4: {  	_ = 	snop  }
0x5: {  	_ = 	snop  }
0x6: {  	_ = 	snop  }
0x7: {  	_ = 	snop  }
__scs_overlays_trampoline_lowered:
0x8: {  	[smem:$0x3FA7] =	sst s0  }
0x9: {  	[smem:$0x3FA8] =	sst s1  }
0xa: {  	[smem:$0x3FA9] =	sst s2  }
0xb: {  	[smem:$0x3FAA] =	sst s3  }
0xc: {  	[smem:$0x3FAB] =	sst s4  }
0xd: {  	[smem:$0x3FAC] =	sst s5  }
0xe: {  	[smem:$0x3FAD] =	sst s6  }
0xf: {  	[smem:$0x3FAE] =	sst s7  }
0x10: {  	[smem:$0x3FAF] =	sst s8  }
0x11: {  	[smem:$0x3FB0] =	sst s9;
	s0 =	simm.s32 @!p0 $0x0  }
0x12: {  	s1 =	sld [smem:$0x3F96];
	s0 =	simm.s32 @p0 $0x1  }
0x13: {  	[smem:$0x3FB1] =	sst s0;
	s0 =	simm.s32 @!p1 $0x0  }
0x14: {  	s2 =	sld [smem:$0x3F95];
	s0 =	simm.s32 @p1 $0x1  }
0x15: {  	[smem:$0x3FB2] =	sst s0;
	s0 =	simm.s32 @!p2 $0x0  }
0x16: {  	s3 =	sld [smem:$0x3FDB];
	s0 =	simm.s32 @p2 $0x1  }
0x17: {  	s4 =	simm.s32 $0x1BF5;
	[smem:$0x3FB4] =	sst s0  }
0x18: {  	s0 =	sld [smem:$0x3F97];
	_ =	swait.ge [sflag:s4], $0x0  }
0x19: {  	s7 =	sld [smem:$0x3F98]  }
0x1a: {  	s8 =	sadd.s32 $0xFFFFE003, lr  }
0x1b: {  	s9 =	sadd.s32 $0xFFFFFEF7, lr;
	s5 =	simm.s32 $0xFFFFFFFF;
	p2 =	slt.u32 s8, $0xFFFFF086  }
0x1c: {  	p1 =	slt.u32 s9, $0xF7A;
	s5 =	simm.s32 @!p2 $0x0  }
0x1d: {  	s5 =	simm.s32 @p1 $0x1;
	p0 =	seq.s32 s7, s2  }
0x1e: {  	s7 =	smul.u32 @!p0 $0xF7A, s2;
	p2 =	seq.s32 @!p0 s5, $0x0  }
0x1f: {  	s9 =	smul.u32 $0xF7A, s1;
	s8 =	simm.s32 @!p0 $0x1BF5;
	p2 =	por !p2, p0  }
0x20: {  	[sflag:s8] =	ssyncset.s32 @!p0 $0xFFFFF086;
	s6 =	sadd.s32 @!p0 s3, s7;
	s7 =	simm.s32 @!p0 $0x108  }
0x21: {  	s3 =	sadd.s32 s3, s9;
	s6 =	sadd.s32 @!p0 $0x88, s6;
	s7 =	simm.s32 @p2 $0x1082  }
0x22: {  	[simem:s7], [sflag:s8] =	dma.local @!p0 [hbm:s6], $0xF7A  }
0x23: {  	s9 =	sor.u32 $0xD0000000, s2;
	s6 =	simm.s32 $0x108;
	_ =	swait.ge @!p0 [sflag:s8], $0x0  }
0x24: {  	s3 =	sadd.s32 $0x88, s3;
	s6 =	simm.s32 @!p1 $0x1082;
	[sflag:s4] =	ssyncset.s32 $0xFFFFF086  }
0x25: {  	[simem:s6], [sflag:s4] =	dma.local [hbm:s3], $0xF7A  }
0x26: {  	[smem:$0x3F98] =	sst s1;
	(tag) =	ssettag s2;
	_ =	strace s9  }
0x27: {  	s1 =	sld [smem:$0x3FA8]  }
0x28: {  	s2 =	sld [smem:$0x3FA9]  }
0x29: {  	s4 =	sld [smem:$0x3FAB]  }
0x2a: {  	p0 =	seq.s32 s5, $0x0;
	s5 =	sld [smem:$0x3FAC]  }
0x2b: {  	s6 =	sld [smem:$0x3FAD]  }
0x2c: {  	s7 =	sld [smem:$0x3FAE]  }
0x2d: {  	s3 =	simm.s32 $0x108;
	s8 =	sld [smem:$0x3FAF]  }
0x2e: {  	s3 =	simm.s32 @!p0 $0x1082;
	s9 =	sld [smem:$0x3FB0]  }
0x2f: {  	lr =	sadd.s32 s0, s3;
	s0 =	sld [smem:$0x3FA7]  }
0x30: {  	s3 =	sld [smem:$0x3FAA]  }
0x31: {  	[smem:$0x3FB3] =	sst s10  }
0x32: {  	s10 =	sld [smem:$0x3FB1];
	_ =	sdelay $0x3  }
0x33: {  	p0 =	seq.s32 s10, $0x1;
	s10 =	sld [smem:$0x3FB3];
	_ =	sdelay $0x3  }
0x34: {  	[smem:$0x3FB3] =	sst s10  }
0x35: {  	s10 =	sld [smem:$0x3FB2];
	_ =	sdelay $0x3  }
0x36: {  	p1 =	seq.s32 s10, $0x1;
	s10 =	sld [smem:$0x3FB3];
	_ =	sdelay $0x3  }
0x37: {  	[smem:$0x3FB3] =	sst s10  }
0x38: {  	s10 =	sld [smem:$0x3FB4]  }
0x39: {  	_ = 	snop;
	(pc) =	sbr.ind lr, $3  }
0x3a: {  	_ = 	snop  }
0x3b: {  	_ = 	snop  }
0x3c: {  	p2 =	seq.s32 s10, $0x1;
	s10 =	sld [smem:$0x3FB3]  }
0x3d: {  	_ =	shalt  }
0x3e: {  	_ =	shalt  }
0x3f: {  	_ =	shalt  }
0x40: {  	_ =	shalt  }
0x41: {  	_ =	shalt  }
0x42: {  	_ =	shalt  }
0x43: {  	_ =	shalt  }
0x44: {  	_ =	shalt  }
0x45: {  	_ =	shalt  }
0x46: {  	_ =	shalt  }
0x47: {  	_ =	shalt  }
0x48: {  	_ =	shalt  }
0x49: {  	_ =	shalt  }
0x4a: {  	_ =	shalt  }
0x4b: {  	_ =	shalt  }
0x4c: {  	_ =	shalt  }
0x4d: {  	_ =	shalt  }
0x4e: {  	_ =	shalt  }
0x4f: {  	_ =	shalt  }
0x50: {  	_ =	shalt  }
0x51: {  	_ =	shalt  }
0x52: {  	_ =	shalt  }
0x53: {  	_ =	shalt  }
0x54: {  	_ =	shalt  }
0x55: {  	_ =	shalt  }
0x56: {  	_ =	shalt  }
0x57: {  	_ =	shalt  }
0x58: {  	_ =	shalt  }
0x59: {  	_ =	shalt  }
0x5a: {  	_ =	shalt  }
0x5b: {  	_ =	shalt  }
0x5c: {  	_ =	shalt  }
0x5d: {  	_ =	shalt  }
0x5e: {  	_ =	shalt  }
0x5f: {  	_ =	shalt  }
0x60: {  	_ =	shalt  }
0x61: {  	_ =	shalt  }
0x62: {  	_ =	shalt  }
0x63: {  	_ =	shalt  }
0x64: {  	_ =	shalt  }
0x65: {  	_ =	shalt  }
0x66: {  	_ =	shalt  }
0x67: {  	_ =	shalt  }
0x68: {  	_ =	shalt  }
0x69: {  	_ =	shalt  }
0x6a: {  	_ =	shalt  }
0x6b: {  	_ =	shalt  }
0x6c: {  	_ =	shalt  }
0x6d: {  	_ =	shalt  }
0x6e: {  	_ =	shalt  }
0x6f: {  	_ =	shalt  }
0x70: {  	_ =	shalt  }
0x71: {  	_ =	shalt  }
0x72: {  	_ =	shalt  }
0x73: {  	_ =	shalt  }
0x74: {  	_ =	shalt  }
0x75: {  	_ =	shalt  }
0x76: {  	_ =	shalt  }
0x77: {  	_ =	shalt  }
0x78: {  	_ =	shalt  }
0x79: {  	_ =	shalt  }
0x7a: {  	_ =	shalt  }
0x7b: {  	_ =	shalt  }
0x7c: {  	_ =	shalt  }
0x7d: {  	_ =	shalt  }
0x7e: {  	_ =	shalt  }
0x7f: {  	_ =	shalt  }
0x80: {  	_ =	shalt  }
0x81: {  	_ =	shalt  }
0x82: {  	_ =	shalt  }
0x83: {  	_ =	shalt  }
0x84: {  	_ =	shalt  }
0x85: {  	_ =	shalt  }
0x86: {  	_ =	shalt  }
0x87: {  	_ =	shalt  }
.Lfunc_end0:
.L_simem_size_0:
called_computation_lowered:
.L_overlay_start_0:
0x88: {  	s2 =	sld [smem:$0x3FD9]  }
0x89: {  	s3 =	sld [smem:$0x3FFE];
	_ =	sdelay $0x1  }
0x8a: {  	s1 =	srdreg.scid  }
0x8b: {  	s0 =	sand.u32 $0x1, s1  }
0x8c: {  	s17 =	sshll.u32 s0, $0xA;
	s2 =	sadd.s32 s3, s2  }
0x8d: {  	s2 =	sadd.s32 s2, s17  }
0x8e: {  	[smem:$0x3FBF] =	sst s2  }
0x8f: {  	_ = 	snop  }
0x90: {  	s2 =	sld [smem:$0x3FC9]  }
0x91: {  	s18 =	sld [smem:$0x3FD0];
	(tm) =	ssettm $0x1  }
0x92: {  	s4 =	sld [smem:$0x3FFB];
	_ =	sdelay $0x3  }
0x93: {  	_ =	strace s4  }
0x94: {  	s4 =	sld [smem:$0x3FFC];
	_ =	sdelay $0x3  }
0x95: {  	_ =	strace s4  }
0x96: {  	s4 =	sld [smem:$0x3FFD];
	_ =	sdelay $0x3  }
0x97: {  	_ =	strace s4  }
0x98: {  	_ =	strace $0x8FFFFFFF  }
0x99: {  	s19 =	sld [smem:$0x3FDB];
	_ =	sdelay $0x1  }
0x9a: {  	s5 =	simm.s32 $_scs_section_size  }
0x9b: {  	s6 =	simm.s32 $_size__tile_overlayer_lowered;
	s7 =	simm.s32 $_tile_overlayer_lowered  }
0x9c: {  	s22 =	simm.s32 $0x1BFF;
	s21 =	sshll.u32 s7, $0x1;
	s4 =	sadd.s32 s5, s19  }
0x9d: {  	s8 =	simm.s32 $0x0;
	s20 =	sshll.u32 s6, $0x1;
	s6 =	sadd.s32 s21, s4  }
0x9e: {  	[timem:s8], [sflag:s22] =	dma.local [hbm:s6], s20  }
0x9f: {  	_ =	swait.ge [sflag:s22], s20  }
0xa0: {  	s5 =	ssub.s32 $0x0, s20;
	[sflag:s22] =	ssyncset.done $0x0  }
0xa1: {  	[sflag:s22] =	ssyncadd.s32 s5;
	_ =	sdelay $0x1  }
0xa2: {  	s23 =	simm.s32 $0x1B8B  }
0xa3: {  	_ =	swait.ge [sflag:s23], $0x1  }
0xa4: {  	[sflag:s23] =	ssyncset.done $0x0  }
0xa5: {  	s25 =	simm.s32 $0x1B8E;
	s24 =	sld [smem:$0x3FFE];
	[sflag:s23] =	ssyncadd.s32 $0xFFFFFFFF  }
0xa6: {  	s26 =	simm.s32 $execute0_lowered;
	[smem:$0x3FD2] =	sst s25  }
0xa7: {  	s6 =	sshll.u32 s26, $0x1;
	_ =	strace $0x80000046;
	[dreg:$0x1] =	wrdreg $0xFFFFFFFF  }
0xa8: {  	s28 =	simm.s32 $_size_execute0_lowered;
	s4 =	sadd.s32 s4, s6;
	[dreg:$0x0] =	wrdreg $0x0  }
0xa9: {  	s6 =	sshll.u32 s28, $0x1;
	[dreg:$0x2] =	wrdreg s4  }
0xaa: {  	[dreg:$0x3] =	wrdreg s6  }
0xab: {  	[dreg:$0x4] =	wrdreg $0xC0  }
0xac: {  	_ =	task [dreg:s8], $0x5FFFF  }
0xad: {  	[dreg:$0x1] =	wrdreg $0xFFFFFFFF  }
0xae: {  	[dreg:$0x0] =	wrdreg $0x60  }
0xaf: {  	[dreg:$0x2] =	wrdreg s2  }
0xb0: {  	[dreg:$0x3] =	wrdreg s18  }
0xb1: {  	[dreg:$0x4] =	wrdreg s24  }
0xb2: {  	[dreg:$0x5] =	wrdreg $0xAA000  }
0xb3: {  	[dreg:$0x6] =	wrdreg $0x9  }
0xb4: {  	_ =	task.clear_ibuf [dreg:s8], $0x7FFFF;
	_ =	strace $0x90000046  }
0xb5: {  	s29 =	simm.s32 $0x9;
	_ =	strace $0x80000048  }
0xb6: {  	_ =	swait.ge [sflag:s29], $0x1  }
0xb7: {  	[sflag:s29] =	ssyncadd.s32 $0xFFFFFFFF  }
0xb8: {  	_ =	strace $0x90000048  }
0xb9: {  	_ =	sfence  }
0xba: {  	s30 =	sld [smem:$0x0];
	_ =	sdelay $0x2  }
0xbb: {  	s31 =	sshll.u32 s1, $0xD;
	s1 =	sshrl.u32 s1, $0x2  }
0xbc: {  	s3 =	sand.u32 $0x4000, s31;
	s1 =	sadd.s32 s1, s30  }
0xbd: {  	s0 =	sor.u32 s3, s0;
	s1 =	sshll.u32 s1, $0x11  }
0xbe: {  	s0 =	sor.u32 s1, s0  }
0xbf: {  	s0 =	sadd.s32 $0x8F2B, s0  }
0xc0: {  	[sflag:s0] =	ssyncadd.remote.s32 $0x1  }
0xc1: {  	_ =	sfence.sel $0xFFFF  }
0xc2: {  	[dreg:$0x0] =	wrdreg $0xFFFFFFFF;
	(pc) =	sbr.abs _section_cstart, $3  }
0xc3: {  	[dreg:$0x1] =	wrdreg $0xFFFFFFFF  }
0xc4: {  	_ =	task.clear_ibuf [dreg:s8], $0x2FFFF;
	_ =	strace $0x9FFFFFFF  }
0xc5: {  	(tm) =	ssettm $0x7FFFFFFF  }
tec
execute0_lowered:
.L_overlay_start_1:
0x0: {  	(tag) =	ssettag $0x1  }
0x1: {  	s1 =	rddreg [dreg:$0x0]  }
0x2: {  	s2 =	srdreg.scid;
	s10 =	rddreg [dreg:$0x1]  }
0x3: {  	s0 =	stileid.u32;
	s7 =	rddreg [dreg:$0x2]  }
0x4: {  	s3 =	rddreg [dreg:$0x3];
	s4 =	simm.s32 $0x0;
	s17 =	simm.s32 $0x2A00  }
0x5: {  	s18 =	simm.s32 $0x3;
	s19 =	simm.s32 $0x80;
	s20 =	simm.s32 $0x2800  }
0x6: {  	s21 =	simm.s32 $0x2880;
	s22 =	simm.s32 $0x6A00;
	s23 =	simm.s32 $0x1  }
0x7: {  	s24 =	simm.s32 $0x2900;
	s25 =	simm.s32 $0x2;
	s6 =	smul.u32 $0x280, s0  }
0x8: {  	s5 =	sand.u32 $0x1, s2;
	s2 =	rddreg [dreg:$0x4];
	s26 =	smul.u32 $0x50000, s0  }
0x9: {  	s28 =	simm.s32 $0x0;
	[smem:$0x7FF] =	sst s4;
	s8 =	smul.u32 $0x2800, s5  }
0xa: {  	_ =	strace $0x80000047;
	s29 =	ssub.s32 $0x2, s5;
	s5 =	sshll.u32 s5, $0x4  }
0xb: {  	s30 =	sshrl.u32 s26, $0x2;
	s31 =	sshrl.u32 s29, $0x1;
	s9 =	sor.u32 s0, s5  }
0xc: {  	s26 =	simm.s32 $0x2980;
	s6 =	sadd.s32 s6, s8;
	s5 =	sadd.s32 s30, s3  }
0xd: {  	s16 =	ssub.s32 s29, s31;
	s11 =	smul.u32 $0x500, s9;
	s6 =	sshll.u32 s6, $0x4  }
0xe: {  	s8 =	sadd.s32 $0xC000, s5;
	s9 =	sadd.s32 $0x10000, s5;
	s16 =	smax.u32 s16, $0x1  }
0xf: {  	s15 =	sadd.s32 s6, s7;
	s6 =	sadd.s32 $0x4000, s5;
	s7 =	sadd.s32 $0x8000, s5  }
0x10: {  	s10 =	sadd.s32 s10, s11;
	s11 =	sadd.s32 $0x1200, s15;
	s12 =	sadd.s32 $0x1A00, s15  }
0x11: {  	v0 =	vimm.f32 $0.0e+00;
	s13 =	sadd.s32 $0x2200, s15;
	s14 =	sadd.s32 $0x2A00, s15;
	s15 =	sadd.s32 $0x3200, s15  }
.LBB2_1:
0x12: {  	s29 =	simm.s32 $0x0;
	s30 =	simm.s32 $0x200  }
.LBB2_2:
0x13: {  	p0 =	sne.s32 s30, $0xFE00;
	[tilespmem:s29+$0x2A70] =	vst v0  }
0x14: {  	[tilespmem:s29+$0x2A00] =	vst v0  }
0x15: {  	[tilespmem:s29+$0x2A10] =	vst v0  }
.Ltmp0:
0x16: {  	[tilespmem:s29+$0x2A20] =	vst v0;
	(pc) =	sbr.rel @p0 .LBB2_2-.Ltmp0, $4  }
0x17: {  	[tilespmem:s29+$0x2A30] =	vst v0  }
0x18: {  	[tilespmem:s29+$0x2A40] =	vst v0  }
0x19: {  	[tilespmem:s29+$0x2A50] =	vst v0  }
0x1a: {  	[tilespmem:s29+$0x2A60] =	vst v0;
	s29 =	sshra.s32 s30, $0x2;
	s30 =	sadd.s32 $0x200, s30  }
0x1b: {  	[tilespmem:s29+$0x2A70] =	vst v0  }
0x1c: {  	[tilespmem:s29+$0x2A00] =	vst v0  }
0x1d: {  	[tilespmem:s29+$0x2A10] =	vst v0  }
0x1e: {  	[tilespmem:s29+$0x2A20] =	vst v0  }
0x1f: {  	[tilespmem:s29+$0x2A30] =	vst v0  }
0x20: {  	[tilespmem:s29+$0x2A40] =	vst v0  }
0x21: {  	[tilespmem:s29+$0x2A50] =	vst v0  }
0x22: {  	[tilespmem:s29+$0x2A60] =	vst v0  }
0x23: {  	[spmem:s5] =	stream.linear.scatter [tilespmem:s17], [sflag:$0x3], $0x4000, $0x38;
	[tilespmem:$0x1EA00] =	vst v63  }
0x24: {  	_ =	swait.ge [sflag:s18], $0x4000  }
0x25: {  	[sflag:s18] =	ssyncset.done $0x0  }
0x26: {  	[sflag:s18] =	ssyncadd.s32 $0xFFFFC000  }
0x27: {  	[spmem:s6] =	stream.linear.scatter [tilespmem:s17], [sflag:$0x3], $0x4000, $0x38;
	[tilespmem:$0x1EA00] =	vst v63  }
0x28: {  	_ =	swait.ge [sflag:s18], $0x4000  }
0x29: {  	[sflag:s18] =	ssyncset.done $0x0  }
0x2a: {  	[sflag:s18] =	ssyncadd.s32 $0xFFFFC000  }
0x2b: {  	[spmem:s7] =	stream.linear.scatter [tilespmem:s17], [sflag:$0x3], $0x4000, $0x38;
	[tilespmem:$0x1EA00] =	vst v63  }
0x2c: {  	_ =	swait.ge [sflag:s18], $0x4000  }
0x2d: {  	[sflag:s18] =	ssyncset.done $0x0  }
0x2e: {  	[sflag:s18] =	ssyncadd.s32 $0xFFFFC000  }
0x2f: {  	[spmem:s8] =	stream.linear.scatter [tilespmem:s17], [sflag:$0x3], $0x4000, $0x38;
	[tilespmem:$0x1EA00] =	vst v63  }
0x30: {  	_ =	swait.ge [sflag:s18], $0x4000  }
0x31: {  	[sflag:s18] =	ssyncset.done $0x0  }
0x32: {  	[sflag:s18] =	ssyncadd.s32 $0xFFFFC000  }
0x33: {  	[spmem:s9] =	stream.linear.scatter [tilespmem:s17], [sflag:$0x3], $0x4000, $0x38;
	[tilespmem:$0x1EA00] =	vst v63  }
0x34: {  	_ =	swait.ge [sflag:s18], $0x4000  }
0x35: {  	[sflag:s18] =	ssyncset.done $0x0  }
0x36: {  	[sflag:s18] =	ssyncadd.s32 $0xFFFFC000  }
0x37: {  	[tilespmem:s4], [sflag:$0x3] =	stream.linear.gather [hbm4b:s10+s4], $0x2800, $0x38;
	[tilespmem:$0x1EA00] =	vst v63  }
0x38: {  	_ =	swait.ge [sflag:s18], $0x2800  }
0x39: {  	[sflag:s18] =	ssyncset.done $0x0  }
0x3a: {  	[sflag:s18] =	ssyncadd.s32 $0xFFFFD800  }
0x3b: {  	[bflag:$0x0] =	sbarrier.arrive $0xFFFF  }
0x3c: {  	v1 =	vld [tilespmem:$0x0];
	_ =	sdelay $0x1  }
0x3d: {  	v2 =	vld [tilespmem:$0x10];
	_ =	sdelay $0x1  }
0x3e: {  	v3 =	vld [tilespmem:$0x20]  }
0x3f: {  	v4 =	vand.u32 $0xFFFF, v1  }
0x40: {  	v59 =	vld [tilespmem:$0x30];
	v1 =	vshrl.u32 v1, $0x10;
	[tilespmem:$0x2800] =	vst v4  }
0x41: {  	[tilespmem:$0x2900] =	vst v1;
	v1 =	vand.u32 $0xFFFF, v2  }
0x42: {  	[tilespmem:$0x2810] =	vst v1;
	v1 =	vshrl.u32 v2, $0x10;
	v2 =	vld [tilespmem:$0x40]  }
0x43: {  	[tilespmem:$0x2910] =	vst v1;
	v1 =	vand.u32 $0xFFFF, v3  }
0x44: {  	[tilespmem:$0x2820] =	vst v1;
	v1 =	vshrl.u32 v3, $0x10;
	v3 =	vld [tilespmem:$0x50]  }
0x45: {  	[tilespmem:$0x2920] =	vst v1;
	v1 =	vand.u32 $0xFFFF, v59  }
0x46: {  	v60 =	vld [tilespmem:$0x60];
	[tilespmem:$0x2830] =	vst v1;
	v1 =	vshrl.u32 v59, $0x10  }
0x47: {  	[tilespmem:$0x2930] =	vst v1;
	v1 =	vand.u32 $0xFFFF, v2  }
0x48: {  	[tilespmem:$0x2840] =	vst v1;
	v1 =	vshrl.u32 v2, $0x10;
	v2 =	vld [tilespmem:$0x70]  }
0x49: {  	[tilespmem:$0x2940] =	vst v1;
	v1 =	vand.u32 $0xFFFF, v3  }
0x4a: {  	[tilespmem:$0x2850] =	vst v1;
	v1 =	vshrl.u32 v3, $0x10;
	v3 =	vld [tilespmem:$0x80]  }
0x4b: {  	[tilespmem:$0x2950] =	vst v1;
	v1 =	vand.u32 $0xFFFF, v60  }
0x4c: {  	v61 =	vld [tilespmem:$0x90];
	[tilespmem:$0x2860] =	vst v1;
	v1 =	vshrl.u32 v60, $0x10  }
0x4d: {  	[tilespmem:$0x2960] =	vst v1;
	v1 =	vand.u32 $0xFFFF, v2  }
0x4e: {  	[tilespmem:$0x2870] =	vst v1;
	v1 =	vshrl.u32 v2, $0x10;
	v2 =	vld [tilespmem:$0xA0]  }
0x4f: {  	[tilespmem:$0x2970] =	vst v1;
	v1 =	vand.u32 $0xFFFF, v3  }
0x50: {  	[tilespmem:$0x2880] =	vst v1;
	v1 =	vshrl.u32 v3, $0x10;
	v3 =	vld [tilespmem:$0xB0]  }
0x51: {  	[tilespmem:$0x2980] =	vst v1;
	v1 =	vand.u32 $0xFFFF, v61  }
0x52: {  	v62 =	vld [tilespmem:$0xC0];
	[tilespmem:$0x2890] =	vst v1;
	v1 =	vshrl.u32 v61, $0x10  }
0x53: {  	[tilespmem:$0x2990] =	vst v1;
	v1 =	vand.u32 $0xFFFF, v2  }
0x54: {  	[tilespmem:$0x28A0] =	vst v1;
	v1 =	vshrl.u32 v2, $0x10;
	v2 =	vld [tilespmem:$0xD0]  }
0x55: {  	[tilespmem:$0x29A0] =	vst v1;
	v1 =	vand.u32 $0xFFFF, v3  }
0x56: {  	[tilespmem:$0x28B0] =	vst v1;
	v1 =	vshrl.u32 v3, $0x10;
	v3 =	vld [tilespmem:$0xE0]  }
0x57: {  	[tilespmem:$0x29B0] =	vst v1;
	v1 =	vand.u32 $0xFFFF, v62  }
0x58: {  	v63 =	vld [tilespmem:$0xF0];
	[tilespmem:$0x28C0] =	vst v1;
	v1 =	vshrl.u32 v62, $0x10  }
0x59: {  	[tilespmem:$0x29C0] =	vst v1;
	v1 =	vand.u32 $0xFFFF, v2  }
0x5a: {  	[tilespmem:$0x28D0] =	vst v1;
	v1 =	vshrl.u32 v2, $0x10  }
0x5b: {  	[tilespmem:$0x29D0] =	vst v1;
	v1 =	vand.u32 $0xFFFF, v3  }
0x5c: {  	[tilespmem:$0x28E0] =	vst v1;
	v1 =	vshrl.u32 v3, $0x10  }
0x5d: {  	[tilespmem:$0x29E0] =	vst v1;
	v1 =	vand.u32 $0xFFFF, v63  }
0x5e: {  	[tilespmem:$0x28F0] =	vst v1;
	v1 =	vshrl.u32 v63, $0x10  }
0x5f: {  	[tilespmem:$0x29F0] =	vst v1  }
0x60: {  	[tilespmem:s17], [sflag:$0x1] =	stream.indirect.gather [hbm4b:s1+s19], $0x80, s20, s19, $0xb8;
	[tilespmem:$0x1EA00] =	vst v63  }
0x61: {  	_ = 	snop  }
0x62: {  	[tilespmem:s22], [sflag:$0x2] =	stream.indirect.gather [hbm4b:s1+s19], $0x80, s21, s19, $0xb8;
	[tilespmem:$0x1EA00] =	vst v63  }
0x63: {  	_ =	swait.ge [sflag:s23], $0x4000  }
0x64: {  	[sflag:s23] =	ssyncset.done $0x0  }
0x65: {  	[sflag:s23] =	ssyncadd.s32 $0xFFFFC000  }
0x66: {  	[spmem:s3] =	stream.indirect.scatter.add.f32 [tilespmem:s17], [sflag:$0x3], $0x80, s24, s19, $0xb8;
	[tilespmem:$0x1EA00] =	vst v63  }
0x67: {  	_ =	swait.ge [sflag:s18], $0x4000  }
0x68: {  	[sflag:s18] =	ssyncset.done $0x0  }
0x69: {  	s29 =	simm.s32 $0x1F0;
	[sflag:s18] =	ssyncadd.s32 $0xFFFFC000  }
0x6a: {  	v1 =	vld [tilespmem:s29+$0xFFFFFF10];
	_ =	sdelay $0x4  }
0x6b: {  	v2 =	vand.u32 $0xFFFF, v1  }
0x6c: {  	v1 =	vshrl.u32 v1, $0x10;
	[tilespmem:$0x2800] =	vst v2  }
0x6d: {  	[tilespmem:$0x2900] =	vst v1  }
0x6e: {  	v1 =	vld [tilespmem:s29+$0xFFFFFF20];
	_ =	sdelay $0x4  }
0x6f: {  	v2 =	vand.u32 $0xFFFF, v1  }
0x70: {  	v1 =	vshrl.u32 v1, $0x10;
	[tilespmem:$0x2810] =	vst v2  }
0x71: {  	[tilespmem:$0x2910] =	vst v1  }
0x72: {  	v1 =	vld [tilespmem:s29+$0xFFFFFF30];
	_ =	sdelay $0x4  }
0x73: {  	v2 =	vand.u32 $0xFFFF, v1  }
0x74: {  	v1 =	vshrl.u32 v1, $0x10;
	[tilespmem:$0x2820] =	vst v2  }
0x75: {  	[tilespmem:$0x2920] =	vst v1  }
0x76: {  	v1 =	vld [tilespmem:s29+$0xFFFFFF40];
	_ =	sdelay $0x4  }
0x77: {  	v2 =	vand.u32 $0xFFFF, v1  }
0x78: {  	v1 =	vshrl.u32 v1, $0x10;
	[tilespmem:$0x2830] =	vst v2  }
0x79: {  	[tilespmem:$0x2930] =	vst v1  }
0x7a: {  	v1 =	vld [tilespmem:s29+$0xFFFFFF50];
	_ =	sdelay $0x4  }
0x7b: {  	v2 =	vand.u32 $0xFFFF, v1  }
0x7c: {  	v1 =	vshrl.u32 v1, $0x10;
	[tilespmem:$0x2840] =	vst v2  }
0x7d: {  	[tilespmem:$0x2940] =	vst v1  }
0x7e: {  	v1 =	vld [tilespmem:s29+$0xFFFFFF60];
	_ =	sdelay $0x4  }
0x7f: {  	v2 =	vand.u32 $0xFFFF, v1  }
0x80: {  	v1 =	vshrl.u32 v1, $0x10;
	[tilespmem:$0x2850] =	vst v2  }
0x81: {  	[tilespmem:$0x2950] =	vst v1  }
0x82: {  	v1 =	vld [tilespmem:s29+$0xFFFFFF70];
	_ =	sdelay $0x4  }
0x83: {  	v2 =	vand.u32 $0xFFFF, v1  }
0x84: {  	v1 =	vshrl.u32 v1, $0x10;
	[tilespmem:$0x2860] =	vst v2  }
0x85: {  	[tilespmem:$0x2960] =	vst v1  }
0x86: {  	v1 =	vld [tilespmem:s29+$0xFFFFFF80];
	_ =	sdelay $0x4  }
0x87: {  	v2 =	vand.u32 $0xFFFF, v1  }
0x88: {  	v1 =	vshrl.u32 v1, $0x10;
	[tilespmem:$0x2870] =	vst v2  }
0x89: {  	[tilespmem:$0x2970] =	vst v1  }
0x8a: {  	[tilespmem:s17], [sflag:$0x1] =	stream.indirect.gather [hbm4b:s1+s19], $0x80, s20, s19, $0xb8;
	[tilespmem:$0x1EA00] =	vst v63  }
0x8b: {  	_ =	swait.ge [sflag:s25], $0x4000  }
0x8c: {  	[sflag:s25] =	ssyncset.done $0x0  }
0x8d: {  	[sflag:s25] =	ssyncadd.s32 $0xFFFFC000  }
0x8e: {  	[spmem:s3] =	stream.indirect.scatter.add.f32 [tilespmem:s22], [sflag:$0x3], $0x80, s26, s19, $0xb8;
	[tilespmem:$0x1EA00] =	vst v63  }
0x8f: {  	_ =	swait.ge [sflag:s18], $0x4000  }
0x90: {  	[sflag:s18] =	ssyncset.done $0x0  }
0x91: {  	[sflag:s18] =	ssyncadd.s32 $0xFFFFC000  }
0x92: {  	v1 =	vld [tilespmem:s29+$0xFFFFFF90];
	_ =	sdelay $0x4  }
0x93: {  	v2 =	vand.u32 $0xFFFF, v1  }
0x94: {  	v1 =	vshrl.u32 v1, $0x10;
	[tilespmem:$0x2880] =	vst v2  }
0x95: {  	[tilespmem:$0x2980] =	vst v1  }
0x96: {  	v1 =	vld [tilespmem:s29+$0xFFFFFFA0];
	_ =	sdelay $0x4  }
0x97: {  	v2 =	vand.u32 $0xFFFF, v1  }
0x98: {  	v1 =	vshrl.u32 v1, $0x10;
	[tilespmem:$0x2890] =	vst v2  }
0x99: {  	[tilespmem:$0x2990] =	vst v1  }
0x9a: {  	v1 =	vld [tilespmem:s29+$0xFFFFFFB0];
	_ =	sdelay $0x4  }
0x9b: {  	v2 =	vand.u32 $0xFFFF, v1  }
0x9c: {  	v1 =	vshrl.u32 v1, $0x10;
	[tilespmem:$0x28A0] =	vst v2  }
0x9d: {  	[tilespmem:$0x29A0] =	vst v1  }
0x9e: {  	v1 =	vld [tilespmem:s29+$0xFFFFFFC0];
	_ =	sdelay $0x4  }
0x9f: {  	v2 =	vand.u32 $0xFFFF, v1  }
0xa0: {  	v1 =	vshrl.u32 v1, $0x10;
	[tilespmem:$0x28B0] =	vst v2  }
0xa1: {  	[tilespmem:$0x29B0] =	vst v1  }
0xa2: {  	v1 =	vld [tilespmem:s29+$0xFFFFFFD0];
	_ =	sdelay $0x4  }
0xa3: {  	v2 =	vand.u32 $0xFFFF, v1  }
0xa4: {  	v1 =	vshrl.u32 v1, $0x10;
	[tilespmem:$0x28C0] =	vst v2  }
0xa5: {  	[tilespmem:$0x29C0] =	vst v1  }
0xa6: {  	v1 =	vld [tilespmem:s29+$0xFFFFFFE0];
	_ =	sdelay $0x4  }
0xa7: {  	v2 =	vand.u32 $0xFFFF, v1  }
0xa8: {  	v1 =	vshrl.u32 v1, $0x10;
	[tilespmem:$0x28D0] =	vst v2  }
0xa9: {  	[tilespmem:$0x29D0] =	vst v1  }
0xaa: {  	v1 =	vld [tilespmem:s29+$0xFFFFFFF0];
	_ =	sdelay $0x4  }
0xab: {  	v2 =	vand.u32 $0xFFFF, v1  }
0xac: {  	s30 =	simm.s32 $0xBC0;
	v1 =	vshrl.u32 v1, $0x10;
	[tilespmem:$0x28E0] =	vst v2  }
.LBB2_4:
0xad: {  	p0 =	sne.s32 s30, $0x9FC0;
	[tilespmem:$0x29E0] =	vst v1;
	s31 =	smov.u32 s30;
	s30 =	sadd.s32 $0x400, s30  }
0xae: {  	v1 =	vld [tilespmem:s29+$0x0];
	_ =	sdelay $0x4  }
0xaf: {  	v2 =	vand.u32 $0xFFFF, v1;
	v1 =	vshrl.u32 v1, $0x10  }
0xb0: {  	[tilespmem:$0x28F0] =	vst v2  }
0xb1: {  	[tilespmem:$0x29F0] =	vst v1  }
0xb2: {  	[tilespmem:s22], [sflag:$0x2] =	stream.indirect.gather [hbm4b:s1+s19], $0x80, s21, s19, $0xb8;
	[tilespmem:$0x1EA00] =	vst v63  }
0xb3: {  	_ =	swait.ge [sflag:s23], $0x4000  }
0xb4: {  	[sflag:s23] =	ssyncset.done $0x0  }
0xb5: {  	[sflag:s23] =	ssyncadd.s32 $0xFFFFC000  }
0xb6: {  	[spmem:s3] =	stream.indirect.scatter.add.f32 [tilespmem:s17], [sflag:$0x3], $0x80, s24, s19, $0xb8;
	[tilespmem:$0x1EA00] =	vst v63  }
0xb7: {  	_ =	swait.ge [sflag:s18], $0x4000  }
0xb8: {  	[sflag:s18] =	ssyncset.done $0x0  }
0xb9: {  	s29 =	sshra.s32 s31, $0x2;
	[sflag:s18] =	ssyncadd.s32 $0xFFFFC000  }
0xba: {  	v1 =	vld [tilespmem:s29+$0xFFFFFF10];
	_ =	sdelay $0x4  }
0xbb: {  	v2 =	vand.u32 $0xFFFF, v1;
	v1 =	vshrl.u32 v1, $0x10  }
0xbc: {  	[tilespmem:$0x2800] =	vst v2  }
0xbd: {  	[tilespmem:$0x2900] =	vst v1  }
0xbe: {  	v1 =	vld [tilespmem:s29+$0xFFFFFF20];
	_ =	sdelay $0x4  }
0xbf: {  	v2 =	vand.u32 $0xFFFF, v1;
	v1 =	vshrl.u32 v1, $0x10  }
0xc0: {  	[tilespmem:$0x2810] =	vst v2  }
0xc1: {  	[tilespmem:$0x2910] =	vst v1  }
0xc2: {  	v1 =	vld [tilespmem:s29+$0xFFFFFF30];
	_ =	sdelay $0x4  }
0xc3: {  	v2 =	vand.u32 $0xFFFF, v1;
	v1 =	vshrl.u32 v1, $0x10  }
0xc4: {  	[tilespmem:$0x2820] =	vst v2  }
0xc5: {  	[tilespmem:$0x2920] =	vst v1  }
0xc6: {  	v1 =	vld [tilespmem:s29+$0xFFFFFF40];
	_ =	sdelay $0x4  }
0xc7: {  	v2 =	vand.u32 $0xFFFF, v1;
	v1 =	vshrl.u32 v1, $0x10  }
0xc8: {  	[tilespmem:$0x2830] =	vst v2  }
0xc9: {  	[tilespmem:$0x2930] =	vst v1  }
0xca: {  	v1 =	vld [tilespmem:s29+$0xFFFFFF50];
	_ =	sdelay $0x4  }
0xcb: {  	v2 =	vand.u32 $0xFFFF, v1;
	v1 =	vshrl.u32 v1, $0x10  }
0xcc: {  	[tilespmem:$0x2840] =	vst v2  }
0xcd: {  	[tilespmem:$0x2940] =	vst v1  }
0xce: {  	v1 =	vld [tilespmem:s29+$0xFFFFFF60];
	_ =	sdelay $0x4  }
0xcf: {  	v2 =	vand.u32 $0xFFFF, v1;
	v1 =	vshrl.u32 v1, $0x10  }
0xd0: {  	[tilespmem:$0x2850] =	vst v2  }
0xd1: {  	[tilespmem:$0x2950] =	vst v1  }
0xd2: {  	v1 =	vld [tilespmem:s29+$0xFFFFFF70];
	_ =	sdelay $0x4  }
0xd3: {  	v2 =	vand.u32 $0xFFFF, v1;
	v1 =	vshrl.u32 v1, $0x10  }
0xd4: {  	[tilespmem:$0x2860] =	vst v2  }
0xd5: {  	[tilespmem:$0x2960] =	vst v1  }
0xd6: {  	v1 =	vld [tilespmem:s29+$0xFFFFFF80];
	_ =	sdelay $0x4  }
0xd7: {  	v2 =	vand.u32 $0xFFFF, v1;
	v1 =	vshrl.u32 v1, $0x10  }
0xd8: {  	[tilespmem:$0x2870] =	vst v2  }
0xd9: {  	[tilespmem:$0x2970] =	vst v1  }
0xda: {  	[tilespmem:s17], [sflag:$0x1] =	stream.indirect.gather [hbm4b:s1+s19], $0x80, s20, s19, $0xb8;
	[tilespmem:$0x1EA00] =	vst v63  }
0xdb: {  	_ =	swait.ge [sflag:s25], $0x4000  }
0xdc: {  	[sflag:s25] =	ssyncset.done $0x0  }
0xdd: {  	[sflag:s25] =	ssyncadd.s32 $0xFFFFC000  }
0xde: {  	[spmem:s3] =	stream.indirect.scatter.add.f32 [tilespmem:s22], [sflag:$0x3], $0x80, s26, s19, $0xb8;
	[tilespmem:$0x1EA00] =	vst v63  }
0xdf: {  	_ =	swait.ge [sflag:s18], $0x4000  }
0xe0: {  	[sflag:s18] =	ssyncset.done $0x0  }
0xe1: {  	[sflag:s18] =	ssyncadd.s32 $0xFFFFC000  }
0xe2: {  	v1 =	vld [tilespmem:s29+$0xFFFFFF90];
	_ =	sdelay $0x4  }
0xe3: {  	v2 =	vand.u32 $0xFFFF, v1;
	v1 =	vshrl.u32 v1, $0x10  }
0xe4: {  	[tilespmem:$0x2880] =	vst v2  }
0xe5: {  	[tilespmem:$0x2980] =	vst v1  }
0xe6: {  	v1 =	vld [tilespmem:s29+$0xFFFFFFA0];
	_ =	sdelay $0x4  }
0xe7: {  	v2 =	vand.u32 $0xFFFF, v1;
	v1 =	vshrl.u32 v1, $0x10  }
0xe8: {  	[tilespmem:$0x2890] =	vst v2  }
0xe9: {  	[tilespmem:$0x2990] =	vst v1  }
0xea: {  	v1 =	vld [tilespmem:s29+$0xFFFFFFB0];
	_ =	sdelay $0x4  }
0xeb: {  	v2 =	vand.u32 $0xFFFF, v1;
	v1 =	vshrl.u32 v1, $0x10  }
0xec: {  	[tilespmem:$0x28A0] =	vst v2  }
0xed: {  	[tilespmem:$0x29A0] =	vst v1  }
0xee: {  	v1 =	vld [tilespmem:s29+$0xFFFFFFC0];
	_ =	sdelay $0x4  }
0xef: {  	v2 =	vand.u32 $0xFFFF, v1;
	v1 =	vshrl.u32 v1, $0x10  }
0xf0: {  	[tilespmem:$0x28B0] =	vst v2  }
0xf1: {  	[tilespmem:$0x29B0] =	vst v1  }
0xf2: {  	v1 =	vld [tilespmem:s29+$0xFFFFFFD0];
	_ =	sdelay $0x4  }
0xf3: {  	v2 =	vand.u32 $0xFFFF, v1;
	v1 =	vshrl.u32 v1, $0x10  }
0xf4: {  	[tilespmem:$0x28C0] =	vst v2  }
0xf5: {  	[tilespmem:$0x29C0] =	vst v1  }
0xf6: {  	v1 =	vld [tilespmem:s29+$0xFFFFFFE0];
	_ =	sdelay $0x4  }
0xf7: {  	v2 =	vand.u32 $0xFFFF, v1;
	v1 =	vshrl.u32 v1, $0x10  }
0xf8: {  	[tilespmem:$0x28D0] =	vst v2  }
0xf9: {  	[tilespmem:$0x29D0] =	vst v1  }
0xfa: {  	v1 =	vld [tilespmem:s29+$0xFFFFFFF0];
	_ =	sdelay $0x1  }
.Ltmp1:
0xfb: {  	(pc) =	sbr.rel @p0 .LBB2_4-.Ltmp1, $3  }
0xfc: {  	_ =	sdelay $0x1  }
0xfd: {  	v2 =	vand.u32 $0xFFFF, v1;
	v1 =	vshrl.u32 v1, $0x10  }
0xfe: {  	[tilespmem:$0x28E0] =	vst v2  }
0xff: {  	[tilespmem:$0x29E0] =	vst v1  }
0x100: {  	v1 =	vld [tilespmem:s29+$0x0];
	_ =	sdelay $0x4  }
0x101: {  	v2 =	vand.u32 $0xFFFF, v1  }
0x102: {  	v1 =	vshrl.u32 v1, $0x10;
	[tilespmem:$0x28F0] =	vst v2  }
0x103: {  	[tilespmem:$0x29F0] =	vst v1  }
0x104: {  	[tilespmem:s22], [sflag:$0x2] =	stream.indirect.gather [hbm4b:s1+s19], $0x80, s21, s19, $0xb8;
	[tilespmem:$0x1EA00] =	vst v63  }
0x105: {  	_ =	swait.ge [sflag:s23], $0x4000  }
0x106: {  	[sflag:s23] =	ssyncset.done $0x0  }
0x107: {  	[sflag:s23] =	ssyncadd.s32 $0xFFFFC000  }
0x108: {  	[spmem:s3] =	stream.indirect.scatter.add.f32 [tilespmem:s17], [sflag:$0x3], $0x80, s24, s19, $0xb8;
	[tilespmem:$0x1EA00] =	vst v63  }
0x109: {  	_ =	swait.ge [sflag:s18], $0x4000  }
0x10a: {  	[sflag:s18] =	ssyncset.done $0x0  }
0x10b: {  	[sflag:s18] =	ssyncadd.s32 $0xFFFFC000  }
0x10c: {  	_ =	swait.ge [sflag:s25], $0x4000  }
0x10d: {  	[sflag:s25] =	ssyncset.done $0x0  }
0x10e: {  	[sflag:s25] =	ssyncadd.s32 $0xFFFFC000  }
0x10f: {  	[spmem:s3] =	stream.indirect.scatter.add.f32 [tilespmem:s22], [sflag:$0x3], $0x80, s26, s19, $0xb8;
	[tilespmem:$0x1EA00] =	vst v63  }
0x110: {  	_ =	swait.ge [sflag:s18], $0x4000  }
0x111: {  	[sflag:s18] =	ssyncset.done $0x0  }
0x112: {  	s30 =	sshll.u32 s0, $0x6;
	[sflag:s18] =	ssyncadd.s32 $0xFFFFC000  }
0x113: {  	s29 =	sor.u32 $0x1C03, s30;
	s30 =	sshrl.u32 s5, $0x3;
	[bflag:$0x0] =	sbarrier.arrive $0xFFFF  }
0x114: {  	[hbm:s11], [sflag:s29] =	dma.local [spmem:s30], $0x800  }
0x115: {  	_ =	swait.ge [sflag:s18], $0x800  }
0x116: {  	[sflag:s18] =	ssyncset.done $0x0  }
0x117: {  	s31 =	sshrl.u32 s6, $0x3;
	[sflag:s18] =	ssyncadd.s32 $0xFFFFF800  }
0x118: {  	[hbm:s12], [sflag:s29] =	dma.local [spmem:s31], $0x800  }
0x119: {  	_ =	swait.ge [sflag:s18], $0x800  }
0x11a: {  	[sflag:s18] =	ssyncset.done $0x0  }
0x11b: {  	s31 =	sshrl.u32 s7, $0x3;
	[sflag:s18] =	ssyncadd.s32 $0xFFFFF800  }
0x11c: {  	[hbm:s13], [sflag:s29] =	dma.local [spmem:s31], $0x800  }
0x11d: {  	_ =	swait.ge [sflag:s18], $0x800  }
0x11e: {  	[sflag:s18] =	ssyncset.done $0x0  }
0x11f: {  	s31 =	sshrl.u32 s8, $0x3;
	[sflag:s18] =	ssyncadd.s32 $0xFFFFF800  }
0x120: {  	[hbm:s14], [sflag:s29] =	dma.local [spmem:s31], $0x800  }
0x121: {  	s28 =	sadd.s32 $0x1, s28;
	_ =	swait.ge [sflag:s18], $0x800  }
0x122: {  	p0 =	sne.s32 s28, s16;
	[sflag:s18] =	ssyncset.done $0x0  }
.Ltmp2:
0x123: {  	s31 =	sshrl.u32 s9, $0x3;
	[sflag:s18] =	ssyncadd.s32 $0xFFFFF800;
	(pc) =	sbr.rel @p0 .LBB2_1-.Ltmp2, $4  }
0x124: {  	[hbm:s15], [sflag:s29] =	dma.local [spmem:s31], $0x800  }
0x125: {  	_ =	swait.ge [sflag:s18], $0x800  }
0x126: {  	[sflag:s18] =	ssyncset.done $0x0  }
0x127: {  	[sflag:s18] =	ssyncadd.s32 $0xFFFFF800  }
0x128: {  	_ =	sfence.sel $0x180000  }
0x129: {  	[bflag:$0x0] =	sbarrier.arrive $0xFFFF  }
0x12a: {  	p0 =	sne.s32 s0, $0x0;
	_ =	strace $0x90000047  }
0x12b: {  	s0 =	sadd.s32 @!p0 $0x100000, s2;
	[bflag:$0x2] =	sbarrier.arrive $0xFFFF  }
0x12c: {  	[sflag:s0] =	ssyncadd.tile.s32 @!p0 $0x1;
	_ =	shalt  }
.Lfunc_end2:
_tile_overlayer_lowered:
.L_overlay_start_2:
0x12d: {  	(tag) =	ssettag $0x2  }
0x12e: {  	s0 =	rddreg [dreg:$0x0];
	s2 =	stileid.u32  }
0x12f: {  	s1 =	rddreg [dreg:$0x1];
	p0 =	sne.s32 s2, $0x0  }
0x130: {  	s3 =	rddreg [dreg:$0x2];
	[bflag:$0x3] =	sbarrier.arrive $0xFFFF;
	s2 =	simm.s32 @!p0 $0x1C03  }
0x131: {  	[timem:s3], [sflag:s2] =	dma.local @!p0 [hbm:s0], s1  }
0x132: {  	s0 =	simm.s32 @!p0 $0x3  }
0x133: {  	_ =	swait.ge @!p0 [sflag:s0], s1  }
0x134: {  	s1 =	ssub.s32 @!p0 $0x0, s1;
	[sflag:s0] =	ssyncset.done @!p0 $0x0  }
0x135: {  	[sflag:s0] =	ssyncadd.s32 @!p0 s1  }
0x136: {  	[bflag:$0x3] =	sbarrier.arrive $0xFFFF  }
0x137: {  	_ =	shalt  }

</sc_bundles>
